<compile_context>
chip_gen: v7x
topology: tpu7x:2x2x1
jax: 0.10.2.dev20260603
libtpu: 0.0.44.dev20260713+nightly
codegen_flags: <defaults>
</compile_context>

<pallas_src>
import jax
import jax.numpy as jnp
import numpy as np
from jax import lax
from jax.experimental import pallas as pl
from jax.experimental.pallas import tpu as pltpu
from jax.experimental.pallas import tpu_sc as plsc

N = 10000
E = 320000
DF = 128
DE = 16
H = 64
HW2 = H // 2
L = 3
G = 64

NC = 2
NS = 16
NW = NC * NS
CHUNK = 128
EPW = 10240
EP = NW * EPW
NCHUNKS = EPW // CHUNK
NP = 10112
RPT = NP // NS
_ROW_CHUNKS = ((0, 128), (128, 128), (256, 128), (384, 128), (512, 120))

_QL = np.concatenate([np.arange(0, 16), np.arange(32, 48)])
_QH = np.concatenate([np.arange(16, 32), np.arange(48, 64)])
_QLH = np.concatenate([_QL, _QH]).astype(np.int32)


SUP = 2
SE = SUP * CHUNK
NSTEPS = EPW // SE


def _sc_body(hb_hbm, src2_hbm, dst2_hbm, embb_hbm, out_hbm,
             src_all, dst_all, dumidx, hrow0, hrow1, embb0, embb1,
             rows0, rows1, agg_s,
             semg0, semg1, seme0, seme1, sems):
    c = lax.axis_index("c")
    s = lax.axis_index("s")
    w = s * NC + c
    hrow_ = (hrow0, hrow1)
    embb_ = (embb0, embb1)
    rows_ = (rows0, rows1)
    semg_ = (semg0, semg1)
    seme_ = (seme0, seme1)

    pltpu.sync_copy(src2_hbm.at[pl.ds(w * NCHUNKS, NCHUNKS)], src_all)
    pltpu.sync_copy(dst2_hbm.at[pl.ds(w * NCHUNKS, NCHUNKS)], dst_all)

    def _zrow(i, carry):
        for k in range(4):
            rows0[i, pl.ds(16 * k, 16)] = jnp.zeros((16,), jnp.float32)
        return carry
    lax.fori_loop(0, CHUNK, _zrow, 0, unroll=4)
    base_r = s * RPT
    for off, nr in _ROW_CHUNKS:
        pltpu.sync_copy(rows0.at[pl.ds(0, nr)], agg_s.at[pl.ds(base_r + off, nr)])
    for k in range(8):
        dumidx[0, pl.ds(16 * k, 16)] = jnp.full((16,), N, jnp.int32)
    plsc.subcore_barrier()

    def _start_fetch(b, i):
        for s_ in range(SUP):
            pltpu.async_copy(hb_hbm.at[src_all.at[SUP * i + s_]],
                             hrow_[b].at[pl.ds(CHUNK * s_, CHUNK)], semg_[b])
        e0 = (w * NCHUNKS + SUP * i) * CHUNK
        pltpu.async_copy(embb_hbm.at[pl.ds(e0, SE)], embb_[b], seme_[b])

    def _wait_fetch(b):
        for s_ in range(SUP):
            pltpu.make_async_copy(hb_hbm.at[src_all.at[s_]],
                                  hrow_[b].at[pl.ds(CHUNK * s_, CHUNK)],
                                  semg_[b]).wait()
        pltpu.make_async_copy(embb_hbm.at[pl.ds(0, SE)], embb_[b],
                              seme_[b]).wait()

    def _wait_scatter_pair():
        for s_ in range(SUP):
            pltpu.make_async_copy(rows0.at[pl.ds(CHUNK * s_, CHUNK)],
                                  agg_s.at[dumidx.at[0]], sems).wait()

    for s_ in range(SUP):
        pltpu.async_copy(rows0.at[pl.ds(CHUNK * s_, CHUNK)],
                         agg_s.at[dumidx.at[0]], sems, add=True)
    _start_fetch(0, jnp.int32(0))

    def _outer(g, carry):
        for b in range(2):
            i = 2 * g + b
            _wait_fetch(b)
            _wait_scatter_pair()
            inext = jnp.minimum(i + 1, NSTEPS - 1)
            _start_fetch(1 - b, inext)

            def _vrow(j, cy):
                for gg in range(H // 32):
                    hsl = pl.ds(16 * gg, 16)
                    hw = plsc.bitcast(hrow_[b][j, hsl], jnp.bfloat16)
                    ew = plsc.bitcast(embb_[b][j, hsl], jnp.bfloat16)
                    sm = jnp.maximum(hw + ew, jnp.bfloat16(0.0))
                    pa, pb = plsc.unpack(sm, format=plsc.PackFormat.INTERLEAVED)
                    rows_[b][j, pl.ds(32 * gg, 16)] = pa
                    rows_[b][j, pl.ds(32 * gg + 16, 16)] = pb
                return cy
            lax.fori_loop(0, SE, _vrow, 0, unroll=2)
            for s_ in range(SUP):
                pltpu.async_copy(rows_[b].at[pl.ds(CHUNK * s_, CHUNK)],
                                 agg_s.at[dst_all.at[SUP * i + s_]], sems, add=True)
        return carry
    lax.fori_loop(0, NSTEPS // 2, _outer, 0)
    _wait_fetch(0)
    _wait_scatter_pair()
    plsc.subcore_barrier()

    for off, nr in _ROW_CHUNKS:
        pltpu.sync_copy(agg_s.at[pl.ds(base_r + off, nr)], rows0.at[pl.ds(0, nr)])
        pltpu.sync_copy(rows0.at[pl.ds(0, nr)], out_hbm.at[c, pl.ds(base_r + off, nr)])


def _make_sc_layer():
    mesh = plsc.VectorSubcoreMesh(core_axis_name="c", subcore_axis_name="s")
    return pl.kernel(
        _sc_body,
        out_type=jax.ShapeDtypeStruct((NC, NP, H), jnp.float32),
        mesh=mesh,
        scratch_types=[
            pltpu.VMEM((NCHUNKS, CHUNK), jnp.int32),
            pltpu.VMEM((NCHUNKS, CHUNK), jnp.int32),
            pltpu.VMEM((1, CHUNK), jnp.int32),
            pltpu.VMEM((SE, HW2), jnp.int32),
            pltpu.VMEM((SE, HW2), jnp.int32),
            pltpu.VMEM((SE, HW2), jnp.int32),
            pltpu.VMEM((SE, HW2), jnp.int32),
            pltpu.VMEM((SE, H), jnp.float32),
            pltpu.VMEM((SE, H), jnp.float32),
            pltpu.VMEM_SHARED((NP, H), jnp.float32),
            pltpu.SemaphoreType.DMA,
            pltpu.SemaphoreType.DMA,
            pltpu.SemaphoreType.DMA,
            pltpu.SemaphoreType.DMA,
            pltpu.SemaphoreType.DMA,
        ],
        compiler_params=pltpu.CompilerParams(use_tc_tiling_on_sc=False,
                                             needs_layout_passes=False),
    )


_SC_LAYER = _make_sc_layer()


def _pack_i32(hq):
    lo = lax.bitcast_convert_type(hq[..., :32].astype(jnp.bfloat16),
                                  jnp.uint16).astype(jnp.uint32)
    hi = lax.bitcast_convert_type(hq[..., 32:].astype(jnp.bfloat16),
                                  jnp.uint16).astype(jnp.uint32)
    return lax.bitcast_convert_type(lo | (hi << 16), jnp.int32)


def _enc_kernel(x_ref, w_ref, b_ref, wq_ref, bq_ref, o_ref, ob_ref):
    x = x_ref[...]
    o_ref[...] = jnp.dot(x, w_ref[...],
                         preferred_element_type=jnp.float32) + b_ref[...]
    hbq = _pack_i32(jnp.dot(x, wq_ref[...],
                            preferred_element_type=jnp.float32) + bq_ref[...])
    ob_ref[:N] = hbq
    ob_ref[N:] = jnp.zeros((NP - N, HW2), jnp.int32)


def _eemb_kernel(a_ref, wq_ref, bq_ref, ob_ref):
    ob_ref[...] = _pack_i32(jnp.dot(a_ref[...], wq_ref[0],
                                    preferred_element_type=jnp.float32)
                            + bq_ref[0])


def _bn(a, g, b):
    m = jnp.mean(a, axis=0)
    v = jnp.mean((a - m) ** 2, axis=0)
    return (a - m) / jnp.sqrt(v + 1e-5) * g + b


def _mlp_kernel(h_ref, aggp_ref, eps_ref, w1_ref, b1_ref, g1_ref, bb1_ref,
                w2_ref, b2_ref, g2_ref, bb2_ref,
                w2q_ref, b2q_ref, g2q_ref, bb2q_ref, o_ref, ob_ref):
    h = h_ref[...]
    agg = aggp_ref[0, :N, :] + aggp_ref[1, :N, :]
    z = (1.0 + eps_ref[0]) * h + agg
    a = jnp.dot(z, w1_ref[...], preferred_element_type=jnp.float32) + b1_ref[...]
    a = jnp.maximum(_bn(a, g1_ref[...], bb1_ref[...]), 0.0)
    cz = jnp.dot(a, w2_ref[...], preferred_element_type=jnp.float32) + b2_ref[...]
    o_ref[...] = jnp.maximum(_bn(cz, g2_ref[...], bb2_ref[...]), 0.0)
    czq = jnp.dot(a, w2q_ref[...], preferred_element_type=jnp.float32) + b2q_ref[...]
    ob_ref[:N] = _pack_i32(jnp.maximum(_bn(czq, g2q_ref[...], bb2q_ref[...]), 0.0))
    ob_ref[N:] = jnp.zeros((NP - N, HW2), jnp.int32)


def _pool_kernel(h_ref, batch_ref, o_ref):
    b2 = batch_ref[...]
    gids = lax.broadcasted_iota(jnp.int32, (N, G), 1)
    oh = (b2 == gids).astype(jnp.float32)
    sums = lax.dot_general(oh, h_ref[...], (((0,), (0,)), ((), ())),
                           preferred_element_type=jnp.float32)
    counts = jnp.sum(oh, axis=0)
    o_ref[...] = sums / jnp.maximum(counts, 1.0)[:, None]


def kernel(x, edge_index, edge_attr, batch, enc_W, enc_b, edge_W, edge_b, eps,
           mlp1_W, mlp1_b, mlpbn_g, mlpbn_b, mlp2_W, mlp2_b, bn_g, bn_b):
    src = edge_index[0]
    dst = edge_index[1]
    pad = EP - E
    src2 = jnp.concatenate([src, jnp.zeros((pad,), jnp.int32)]).reshape(EP // CHUNK, CHUNK)
    dst2 = jnp.concatenate([dst, jnp.full((pad,), N, jnp.int32)]).reshape(EP // CHUNK, CHUNK)
    attr_p = jnp.concatenate([edge_attr, jnp.zeros((pad, DE), jnp.float32)])
    q = jnp.asarray(_QLH)

    h, hb = pl.pallas_call(
        _enc_kernel,
        out_shape=(jax.ShapeDtypeStruct((N, H), jnp.float32),
                   jax.ShapeDtypeStruct((NP, HW2), jnp.int32)),
    )(x, enc_W, enc_b, enc_W[:, q], enc_b[q])

    BE = 4096
    eemb_call = pl.pallas_call(
        _eemb_kernel,
        grid=(EP // BE,),
        in_specs=[
            pl.BlockSpec((BE, DE), lambda b: (b, 0)),
            pl.BlockSpec((1, DE, H), lambda b: (0, 0, 0)),
            pl.BlockSpec((1, 1, H), lambda b: (0, 0, 0)),
        ],
        out_specs=pl.BlockSpec((BE, HW2), lambda b: (b, 0)),
        out_shape=jax.ShapeDtypeStruct((EP, HW2), jnp.int32),
    )

    mlp_call = pl.pallas_call(
        _mlp_kernel,
        in_specs=[pl.BlockSpec(memory_space=pltpu.VMEM)] * 2
        + [pl.BlockSpec(memory_space=pltpu.SMEM)]
        + [pl.BlockSpec(memory_space=pltpu.VMEM)] * 12,
        out_shape=(jax.ShapeDtypeStruct((N, H), jnp.float32),
                   jax.ShapeDtypeStruct((NP, HW2), jnp.int32)),
    )

    def _layer(carry, xs):
        h, hb = carry
        (eWq, ebq, ep_, w1, b1, g1, bb1, w2, b2, g2, bb2,
         w2q, b2q, g2q, bb2q) = xs
        embb_l = eemb_call(attr_p, eWq.reshape(1, DE, H), ebq.reshape(1, 1, H))
        aggp = _SC_LAYER(hb, src2, dst2, embb_l)
        h, hb = mlp_call(h, aggp, ep_.reshape(1), w1, b1, g1, bb1,
                         w2, b2, g2, bb2, w2q, b2q, g2q, bb2q)
        return (h, hb), None

    (h, _), _ = lax.scan(
        _layer, (h, hb),
        (edge_W[:, :, q], edge_b[:, q], eps, mlp1_W, mlp1_b,
         mlpbn_g, mlpbn_b, mlp2_W, mlp2_b, bn_g, bn_b,
         mlp2_W[:, :, q], mlp2_b[:, q], bn_g[:, q], bn_b[:, q]))

    return pl.pallas_call(
        _pool_kernel,
        out_shape=jax.ShapeDtypeStruct((G, H), jnp.float32),
    )(h, batch.reshape(N, 1))

# --- scband reference (transcript-rebuilt; emitter-appended) ---
"""Pipeline reference for scband-gineencoder-3375844295314 (READ-ONLY COPY).

The authoritative reference and input builder live on the scoring server;
editing this copy changes nothing except your own understanding.
"""

import jax, jax.numpy as jnp
import numpy as np

N = 10000
E = 320000
DF = 128
DE = 16
H = 64
L = 3
G = 64


def setup_inputs(seed: int = 0) -> dict:
    key = jax.random.key(seed)
    ks = jax.random.split(key, 24)
    inp = {}
    inp["x"] = jax.random.normal(ks[0], (N, DF), dtype=jnp.float32)
    inp["edge_index"] = jax.random.randint(ks[1], (2, E), 0, N, dtype=jnp.int32)
    inp["edge_attr"] = jax.random.normal(ks[2], (E, DE), dtype=jnp.float32)
    inp["batch"] = jnp.sort(jax.random.randint(ks[3], (N,), 0, G, dtype=jnp.int32))
    # learned parameters
    inp["enc_W"] = jax.random.normal(ks[4], (DF, H), dtype=jnp.float32) * 0.05
    inp["enc_b"] = jnp.zeros((H,), dtype=jnp.float32)
    inp["edge_W"] = jax.random.normal(ks[5], (L, DE, H), dtype=jnp.float32) * 0.1
    inp["edge_b"] = jnp.zeros((L, H), dtype=jnp.float32)
    inp["eps"] = jnp.zeros((L,), dtype=jnp.float32)
    inp["mlp1_W"] = jax.random.normal(ks[6], (L, H, 2 * H), dtype=jnp.float32) * 0.1
    inp["mlp1_b"] = jnp.zeros((L, 2 * H), dtype=jnp.float32)
    inp["mlpbn_g"] = jnp.ones((L, 2 * H), dtype=jnp.float32)
    inp["mlpbn_b"] = jnp.zeros((L, 2 * H), dtype=jnp.float32)
    inp["mlp2_W"] = jax.random.normal(ks[7], (L, 2 * H, H), dtype=jnp.float32) * 0.1
    inp["mlp2_b"] = jnp.zeros((L, H), dtype=jnp.float32)
    inp["bn_g"] = jnp.ones((L, H), dtype=jnp.float32)
    inp["bn_b"] = jnp.zeros((L, H), dtype=jnp.float32)
    return inp


def _batchnorm(h, g, b):
    m = jnp.mean(h, axis=0)
    v = jnp.var(h, axis=0)
    return (h - m) / jnp.sqrt(v + 1e-5) * g + b


def reference(x, edge_index, edge_attr, batch, enc_W, enc_b, edge_W, edge_b, eps,
              mlp1_W, mlp1_b, mlpbn_g, mlpbn_b, mlp2_W, mlp2_b, bn_g, bn_b):
    src = edge_index[0]
    dst = edge_index[1]
    # node encoder
    h = x @ enc_W + enc_b
    for i in range(L):
        # GINEConv: message = relu(x_j + lin_edge(edge_attr)), aggregate = sum at dst
        e_emb = edge_attr @ edge_W[i] + edge_b[i]
        msg = jax.nn.relu(jnp.take(h, src, axis=0) + e_emb)
        agg = jax.ops.segment_sum(msg, dst, num_segments=N)
        z = (1.0 + eps[i]) * h + agg
        # MLP: Linear -> BN -> ReLU -> Linear
        z = z @ mlp1_W[i] + mlp1_b[i]
        z = _batchnorm(z, mlpbn_g[i], mlpbn_b[i])
        z = jax.nn.relu(z)
        z = z @ mlp2_W[i] + mlp2_b[i]
        # outer BN + ReLU (dropout treated as identity / eval mode)
        z = _batchnorm(z, bn_g[i], bn_b[i])
        h = jax.nn.relu(z)
    # global mean pool
    sums = jax.ops.segment_sum(h, batch, num_segments=G)
    counts = jax.ops.segment_sum(jnp.ones((N,), dtype=jnp.float32), batch, num_segments=G)
    counts = jnp.maximum(counts, 1.0)
    return sums / counts[:, None]

if __name__ == "__main__":
    import jax
    _d = setup_inputs()
    print(jax.jit(kernel)(*tuple(_d.values())))

</pallas_src>

<mosaic_0001>
#map = affine_map<(d0, d1) -> (0, 0)>
#map1 = affine_map<(d0, d1) -> (0, 0, 0)>
module attributes {stable_mosaic.version = 14 : i64} {
  func.func @_sc_body(%arg0: i32, %arg1: i32, %arg2: memref<10112x32xi32, #tpu.memory_space<hbm>>, %arg3: memref<2560x128xi32, #tpu.memory_space<hbm>>, %arg4: memref<2560x128xi32, #tpu.memory_space<hbm>>, %arg5: memref<327680x32xi32, #tpu.memory_space<hbm>>, %arg6: memref<2x10112x64xf32, #tpu.memory_space<hbm>>, %arg7: memref<80x128xi32, #tpu.memory_space<vmem>>, %arg8: memref<80x128xi32, #tpu.memory_space<vmem>>, %arg9: memref<1x128xi32, #tpu.memory_space<vmem>>, %arg10: memref<256x32xi32, #tpu.memory_space<vmem>>, %arg11: memref<256x32xi32, #tpu.memory_space<vmem>>, %arg12: memref<256x32xi32, #tpu.memory_space<vmem>>, %arg13: memref<256x32xi32, #tpu.memory_space<vmem>>, %arg14: memref<256x64xf32, #tpu.memory_space<vmem>>, %arg15: memref<256x64xf32, #tpu.memory_space<vmem>>, %arg16: memref<10112x64xf32, #tpu.memory_space<vmem_shared>>, %arg17: memref<!tpu.dma_semaphore, #tpu.memory_space<semaphore_mem>>, %arg18: memref<!tpu.dma_semaphore, #tpu.memory_space<semaphore_mem>>, %arg19: memref<!tpu.dma_semaphore, #tpu.memory_space<semaphore_mem>>, %arg20: memref<!tpu.dma_semaphore, #tpu.memory_space<semaphore_mem>>, %arg21: memref<!tpu.dma_semaphore, #tpu.memory_space<semaphore_mem>>) attributes {dimension_semantics = [#tpu.dimension_semantics<core_parallel>, #tpu.dimension_semantics<subcore_parallel>], iteration_bounds = array<i64: 2, 16>, scalar_prefetch = 0 : i64, scratch_operands = 15 : i64, tpu.core_type = #tpu.core_type<sc_vector_subcore>, window_params = [{transform_indices = #map}, {transform_indices = #map}, {transform_indices = #map}, {transform_indices = #map}, {transform_indices = #map1}]} {
    %mul3A = arith.constant 2 : i32
    %mul3A_0 = arith.muli %arg1, %mul3A : i32
    %add3A = arith.addi %mul3A_0, %arg0 : i32
    %mul3A_1 = arith.constant 80 : i32
    %mul3A_2 = arith.muli %add3A, %mul3A_1 : i32
    "tpu.region"() ({
      %run_scoped3A = tpu.sem_alloc : memref<!tpu.dma_semaphore, #tpu.memory_space<semaphore_mem>>
      %dma_start3A_199 = arith.constant 0 : i32
      %dma_start3A_200 = tpu.memref_slice %arg3[%mul3A_2, %dma_start3A_199] : memref<2560x128xi32, #tpu.memory_space<hbm>> -> memref<80x128xi32, #tpu.memory_space<hbm>>
      %dma_start3A_201 = arith.constant 0 : i32
      %dma_start3A_202 = tpu.memref_slice %arg3[%mul3A_2, %dma_start3A_201] : memref<2560x128xi32, #tpu.memory_space<hbm>> -> memref<80x128xi32, #tpu.memory_space<hbm>>
      tpu.enqueue_dma source(%dma_start3A_202 : memref<80x128xi32, #tpu.memory_space<hbm>>) target(%arg7 : memref<80x128xi32, #tpu.memory_space<vmem>>) target_semaphore(%run_scoped3A : memref<!tpu.dma_semaphore, #tpu.memory_space<semaphore_mem>>)
      %dma_wait3A_203 = arith.constant 0 : i32
      %dma_wait3A_204 = tpu.memref_slice %arg3[%mul3A_2, %dma_wait3A_203] : memref<2560x128xi32, #tpu.memory_space<hbm>> -> memref<80x128xi32, #tpu.memory_space<hbm>>
      %dma_wait3A_205 = arith.constant 0 : i32
      %dma_wait3A_206 = tpu.memref_slice %arg3[%mul3A_2, %dma_wait3A_205] : memref<2560x128xi32, #tpu.memory_space<hbm>> -> memref<80x128xi32, #tpu.memory_space<hbm>>
      tpu.wait_dma2 semaphore(%run_scoped3A : memref<!tpu.dma_semaphore, #tpu.memory_space<semaphore_mem>>) src(%dma_wait3A_206 : memref<80x128xi32, #tpu.memory_space<hbm>>) dst(%arg7 : memref<80x128xi32, #tpu.memory_space<vmem>>)
      tpu.yield
    }) : () -> ()
    %mul3A_3 = arith.constant 80 : i32
    %mul3A_4 = arith.muli %add3A, %mul3A_3 : i32
    "tpu.region"() ({
      %run_scoped3A = tpu.sem_alloc : memref<!tpu.dma_semaphore, #tpu.memory_space<semaphore_mem>>
      %dma_start3A_199 = arith.constant 0 : i32
      %dma_start3A_200 = tpu.memref_slice %arg4[%mul3A_4, %dma_start3A_199] : memref<2560x128xi32, #tpu.memory_space<hbm>> -> memref<80x128xi32, #tpu.memory_space<hbm>>
      %dma_start3A_201 = arith.constant 0 : i32
      %dma_start3A_202 = tpu.memref_slice %arg4[%mul3A_4, %dma_start3A_201] : memref<2560x128xi32, #tpu.memory_space<hbm>> -> memref<80x128xi32, #tpu.memory_space<hbm>>
      tpu.enqueue_dma source(%dma_start3A_202 : memref<80x128xi32, #tpu.memory_space<hbm>>) target(%arg8 : memref<80x128xi32, #tpu.memory_space<vmem>>) target_semaphore(%run_scoped3A : memref<!tpu.dma_semaphore, #tpu.memory_space<semaphore_mem>>)
      %dma_wait3A_203 = arith.constant 0 : i32
      %dma_wait3A_204 = tpu.memref_slice %arg4[%mul3A_4, %dma_wait3A_203] : memref<2560x128xi32, #tpu.memory_space<hbm>> -> memref<80x128xi32, #tpu.memory_space<hbm>>
      %dma_wait3A_205 = arith.constant 0 : i32
      %dma_wait3A_206 = tpu.memref_slice %arg4[%mul3A_4, %dma_wait3A_205] : memref<2560x128xi32, #tpu.memory_space<hbm>> -> memref<80x128xi32, #tpu.memory_space<hbm>>
      tpu.wait_dma2 semaphore(%run_scoped3A : memref<!tpu.dma_semaphore, #tpu.memory_space<semaphore_mem>>) src(%dma_wait3A_206 : memref<80x128xi32, #tpu.memory_space<hbm>>) dst(%arg8 : memref<80x128xi32, #tpu.memory_space<vmem>>)
      tpu.yield
    }) : () -> ()
    %scan3A = arith.constant 0 : i32
    %scan3A_5 = arith.constant 0 : i32
    %scan3A_6 = arith.constant 128 : i32
    %scan3A_7 = arith.addi %scan3A_5, %scan3A_6 : i32
    %scan3A_8 = arith.constant 4 : i32
    scf.for %scan3A_199 = %scan3A_5 to %scan3A_7 step %scan3A_8  : i32 {
      %broadcast_in_dim3A_200 = arith.constant 0.000000e+00 : f32
      %broadcast_in_dim3A_201 = vector.broadcast %broadcast_in_dim3A_200 : f32 to vector<16xf32>
      %swap3A_202 = arith.index_cast %scan3A_199 : i32 to index
      %swap3A_203 = arith.constant 0 : index
      %swap3A_204 = tpu.vector_load %arg14[%swap3A_202, %swap3A_203] {strides = array<i32>} : memref<256x64xf32, #tpu.memory_space<vmem>>, vector<16xf32>,
      tpu.vector_store %arg14[%swap3A_202, %swap3A_203], %broadcast_in_dim3A_201 {strides = array<i32>} : memref<256x64xf32, #tpu.memory_space<vmem>>, vector<16xf32>,
      %broadcast_in_dim3A_205 = arith.constant 0.000000e+00 : f32
      %broadcast_in_dim3A_206 = vector.broadcast %broadcast_in_dim3A_205 : f32 to vector<16xf32>
      %swap3A_207 = arith.index_cast %scan3A_199 : i32 to index
      %swap3A_208 = arith.constant 16 : index
      %swap3A_209 = tpu.vector_load %arg14[%swap3A_207, %swap3A_208] {strides = array<i32>} : memref<256x64xf32, #tpu.memory_space<vmem>>, vector<16xf32>,
      tpu.vector_store %arg14[%swap3A_207, %swap3A_208], %broadcast_in_dim3A_206 {strides = array<i32>} : memref<256x64xf32, #tpu.memory_space<vmem>>, vector<16xf32>,
      %broadcast_in_dim3A_210 = arith.constant 0.000000e+00 : f32
      %broadcast_in_dim3A_211 = vector.broadcast %broadcast_in_dim3A_210 : f32 to vector<16xf32>
      %swap3A_212 = arith.index_cast %scan3A_199 : i32 to index
      %swap3A_213 = arith.constant 32 : index
      %swap3A_214 = tpu.vector_load %arg14[%swap3A_212, %swap3A_213] {strides = array<i32>} : memref<256x64xf32, #tpu.memory_space<vmem>>, vector<16xf32>,
      tpu.vector_store %arg14[%swap3A_212, %swap3A_213], %broadcast_in_dim3A_211 {strides = array<i32>} : memref<256x64xf32, #tpu.memory_space<vmem>>, vector<16xf32>,
      %broadcast_in_dim3A_215 = arith.constant 0.000000e+00 : f32
      %broadcast_in_dim3A_216 = vector.broadcast %broadcast_in_dim3A_215 : f32 to vector<16xf32>
      %swap3A_217 = arith.index_cast %scan3A_199 : i32 to index
      %swap3A_218 = arith.constant 48 : index
      %swap3A_219 = tpu.vector_load %arg14[%swap3A_217, %swap3A_218] {strides = array<i32>} : memref<256x64xf32, #tpu.memory_space<vmem>>, vector<16xf32>,
      tpu.vector_store %arg14[%swap3A_217, %swap3A_218], %broadcast_in_dim3A_216 {strides = array<i32>} : memref<256x64xf32, #tpu.memory_space<vmem>>, vector<16xf32>,
      %scan3A_220 = arith.constant 1 : i32
      %scan3A_221 = arith.addi %scan3A_199, %scan3A_220 : i32
      %broadcast_in_dim3A_222 = arith.constant 0.000000e+00 : f32
      %broadcast_in_dim3A_223 = vector.broadcast %broadcast_in_dim3A_222 : f32 to vector<16xf32>
      %swap3A_224 = arith.index_cast %scan3A_221 : i32 to index
      %swap3A_225 = arith.constant 0 : index
      %swap3A_226 = tpu.vector_load %arg14[%swap3A_224, %swap3A_225] {strides = array<i32>} : memref<256x64xf32, #tpu.memory_space<vmem>>, vector<16xf32>,
      tpu.vector_store %arg14[%swap3A_224, %swap3A_225], %broadcast_in_dim3A_223 {strides = array<i32>} : memref<256x64xf32, #tpu.memory_space<vmem>>, vector<16xf32>,
      %broadcast_in_dim3A_227 = arith.constant 0.000000e+00 : f32
      %broadcast_in_dim3A_228 = vector.broadcast %broadcast_in_dim3A_227 : f32 to vector<16xf32>
      %swap3A_229 = arith.index_cast %scan3A_221 : i32 to index
      %swap3A_230 = arith.constant 16 : index
      %swap3A_231 = tpu.vector_load %arg14[%swap3A_229, %swap3A_230] {strides = array<i32>} : memref<256x64xf32, #tpu.memory_space<vmem>>, vector<16xf32>,
      tpu.vector_store %arg14[%swap3A_229, %swap3A_230], %broadcast_in_dim3A_228 {strides = array<i32>} : memref<256x64xf32, #tpu.memory_space<vmem>>, vector<16xf32>,
      %broadcast_in_dim3A_232 = arith.constant 0.000000e+00 : f32
      %broadcast_in_dim3A_233 = vector.broadcast %broadcast_in_dim3A_232 : f32 to vector<16xf32>
      %swap3A_234 = arith.index_cast %scan3A_221 : i32 to index
      %swap3A_235 = arith.constant 32 : index
      %swap3A_236 = tpu.vector_load %arg14[%swap3A_234, %swap3A_235] {strides = array<i32>} : memref<256x64xf32, #tpu.memory_space<vmem>>, vector<16xf32>,
      tpu.vector_store %arg14[%swap3A_234, %swap3A_235], %broadcast_in_dim3A_233 {strides = array<i32>} : memref<256x64xf32, #tpu.memory_space<vmem>>, vector<16xf32>,
      %broadcast_in_dim3A_237 = arith.constant 0.000000e+00 : f32
      %broadcast_in_dim3A_238 = vector.broadcast %broadcast_in_dim3A_237 : f32 to vector<16xf32>
      %swap3A_239 = arith.index_cast %scan3A_221 : i32 to index
      %swap3A_240 = arith.constant 48 : index
      %swap3A_241 = tpu.vector_load %arg14[%swap3A_239, %swap3A_240] {strides = array<i32>} : memref<256x64xf32, #tpu.memory_space<vmem>>, vector<16xf32>,
      tpu.vector_store %arg14[%swap3A_239, %swap3A_240], %broadcast_in_dim3A_238 {strides = array<i32>} : memref<256x64xf32, #tpu.memory_space<vmem>>, vector<16xf32>,
      %scan3A_242 = arith.constant 2 : i32
      %scan3A_243 = arith.addi %scan3A_199, %scan3A_242 : i32
      %broadcast_in_dim3A_244 = arith.constant 0.000000e+00 : f32
      %broadcast_in_dim3A_245 = vector.broadcast %broadcast_in_dim3A_244 : f32 to vector<16xf32>
      %swap3A_246 = arith.index_cast %scan3A_243 : i32 to index
      %swap3A_247 = arith.constant 0 : index
      %swap3A_248 = tpu.vector_load %arg14[%swap3A_246, %swap3A_247] {strides = array<i32>} : memref<256x64xf32, #tpu.memory_space<vmem>>, vector<16xf32>,
      tpu.vector_store %arg14[%swap3A_246, %swap3A_247], %broadcast_in_dim3A_245 {strides = array<i32>} : memref<256x64xf32, #tpu.memory_space<vmem>>, vector<16xf32>,
      %broadcast_in_dim3A_249 = arith.constant 0.000000e+00 : f32
      %broadcast_in_dim3A_250 = vector.broadcast %broadcast_in_dim3A_249 : f32 to vector<16xf32>
      %swap3A_251 = arith.index_cast %scan3A_243 : i32 to index
      %swap3A_252 = arith.constant 16 : index
      %swap3A_253 = tpu.vector_load %arg14[%swap3A_251, %swap3A_252] {strides = array<i32>} : memref<256x64xf32, #tpu.memory_space<vmem>>, vector<16xf32>,
      tpu.vector_store %arg14[%swap3A_251, %swap3A_252], %broadcast_in_dim3A_250 {strides = array<i32>} : memref<256x64xf32, #tpu.memory_space<vmem>>, vector<16xf32>,
      %broadcast_in_dim3A_254 = arith.constant 0.000000e+00 : f32
      %broadcast_in_dim3A_255 = vector.broadcast %broadcast_in_dim3A_254 : f32 to vector<16xf32>
      %swap3A_256 = arith.index_cast %scan3A_243 : i32 to index
      %swap3A_257 = arith.constant 32 : index
      %swap3A_258 = tpu.vector_load %arg14[%swap3A_256, %swap3A_257] {strides = array<i32>} : memref<256x64xf32, #tpu.memory_space<vmem>>, vector<16xf32>,
      tpu.vector_store %arg14[%swap3A_256, %swap3A_257], %broadcast_in_dim3A_255 {strides = array<i32>} : memref<256x64xf32, #tpu.memory_space<vmem>>, vector<16xf32>,
      %broadcast_in_dim3A_259 = arith.constant 0.000000e+00 : f32
      %broadcast_in_dim3A_260 = vector.broadcast %broadcast_in_dim3A_259 : f32 to vector<16xf32>
      %swap3A_261 = arith.index_cast %scan3A_243 : i32 to index
      %swap3A_262 = arith.constant 48 : index
      %swap3A_263 = tpu.vector_load %arg14[%swap3A_261, %swap3A_262] {strides = array<i32>} : memref<256x64xf32, #tpu.memory_space<vmem>>, vector<16xf32>,
      tpu.vector_store %arg14[%swap3A_261, %swap3A_262], %broadcast_in_dim3A_260 {strides = array<i32>} : memref<256x64xf32, #tpu.memory_space<vmem>>, vector<16xf32>,
      %scan3A_264 = arith.constant 3 : i32
      %scan3A_265 = arith.addi %scan3A_199, %scan3A_264 : i32
      %broadcast_in_dim3A_266 = arith.constant 0.000000e+00 : f32
      %broadcast_in_dim3A_267 = vector.broadcast %broadcast_in_dim3A_266 : f32 to vector<16xf32>
      %swap3A_268 = arith.index_cast %scan3A_265 : i32 to index
      %swap3A_269 = arith.constant 0 : index
      %swap3A_270 = tpu.vector_load %arg14[%swap3A_268, %swap3A_269] {strides = array<i32>} : memref<256x64xf32, #tpu.memory_space<vmem>>, vector<16xf32>,
      tpu.vector_store %arg14[%swap3A_268, %swap3A_269], %broadcast_in_dim3A_267 {strides = array<i32>} : memref<256x64xf32, #tpu.memory_space<vmem>>, vector<16xf32>,
      %broadcast_in_dim3A_271 = arith.constant 0.000000e+00 : f32
      %broadcast_in_dim3A_272 = vector.broadcast %broadcast_in_dim3A_271 : f32 to vector<16xf32>
      %swap3A_273 = arith.index_cast %scan3A_265 : i32 to index
      %swap3A_274 = arith.constant 16 : index
      %swap3A_275 = tpu.vector_load %arg14[%swap3A_273, %swap3A_274] {strides = array<i32>} : memref<256x64xf32, #tpu.memory_space<vmem>>, vector<16xf32>,
      tpu.vector_store %arg14[%swap3A_273, %swap3A_274], %broadcast_in_dim3A_272 {strides = array<i32>} : memref<256x64xf32, #tpu.memory_space<vmem>>, vector<16xf32>,
      %broadcast_in_dim3A_276 = arith.constant 0.000000e+00 : f32
      %broadcast_in_dim3A_277 = vector.broadcast %broadcast_in_dim3A_276 : f32 to vector<16xf32>
      %swap3A_278 = arith.index_cast %scan3A_265 : i32 to index
      %swap3A_279 = arith.constant 32 : index
      %swap3A_280 = tpu.vector_load %arg14[%swap3A_278, %swap3A_279] {strides = array<i32>} : memref<256x64xf32, #tpu.memory_space<vmem>>, vector<16xf32>,
      tpu.vector_store %arg14[%swap3A_278, %swap3A_279], %broadcast_in_dim3A_277 {strides = array<i32>} : memref<256x64xf32, #tpu.memory_space<vmem>>, vector<16xf32>,
      %broadcast_in_dim3A_281 = arith.constant 0.000000e+00 : f32
      %broadcast_in_dim3A_282 = vector.broadcast %broadcast_in_dim3A_281 : f32 to vector<16xf32>
      %swap3A_283 = arith.index_cast %scan3A_265 : i32 to index
      %swap3A_284 = arith.constant 48 : index
      %swap3A_285 = tpu.vector_load %arg14[%swap3A_283, %swap3A_284] {strides = array<i32>} : memref<256x64xf32, #tpu.memory_space<vmem>>, vector<16xf32>,
      tpu.vector_store %arg14[%swap3A_283, %swap3A_284], %broadcast_in_dim3A_282 {strides = array<i32>} : memref<256x64xf32, #tpu.memory_space<vmem>>, vector<16xf32>,
    }
    %scan3A_9 = arith.constant 128 : i32
    %mul3A_10 = arith.constant 632 : i32
    %mul3A_11 = arith.muli %arg1, %mul3A_10 : i32
    %add3A_12 = arith.constant 0 : i32
    %add3A_13 = arith.addi %mul3A_11, %add3A_12 : i32
    "tpu.region"() ({
      %run_scoped3A = tpu.sem_alloc : memref<!tpu.dma_semaphore, #tpu.memory_space<semaphore_mem>>
      %dma_start3A_199 = arith.constant 0 : i32
      %dma_start3A_200 = arith.constant 0 : i32
      %dma_start3A_201 = tpu.memref_slice %arg14[%dma_start3A_199, %dma_start3A_200] : memref<256x64xf32, #tpu.memory_space<vmem>> -> memref<128x64xf32, #tpu.memory_space<vmem>>
      %dma_start3A_202 = arith.constant 0 : i32
      %dma_start3A_203 = tpu.memref_slice %arg16[%add3A_13, %dma_start3A_202] : memref<10112x64xf32, #tpu.memory_space<vmem_shared>> -> memref<128x64xf32, #tpu.memory_space<vmem_shared>>
      %dma_start3A_204 = arith.constant 0 : i32
      %dma_start3A_205 = tpu.memref_slice %arg16[%add3A_13, %dma_start3A_204] : memref<10112x64xf32, #tpu.memory_space<vmem_shared>> -> memref<128x64xf32, #tpu.memory_space<vmem_shared>>
      %dma_start3A_206 = arith.constant 0 : i32
      %dma_start3A_207 = arith.constant 0 : i32
      %dma_start3A_208 = tpu.memref_slice %arg14[%dma_start3A_206, %dma_start3A_207] : memref<256x64xf32, #tpu.memory_space<vmem>> -> memref<128x64xf32, #tpu.memory_space<vmem>>
      tpu.enqueue_dma source(%dma_start3A_208 : memref<128x64xf32, #tpu.memory_space<vmem>>) target(%dma_start3A_205 : memref<128x64xf32, #tpu.memory_space<vmem_shared>>) target_semaphore(%run_scoped3A : memref<!tpu.dma_semaphore, #tpu.memory_space<semaphore_mem>>)
      %dma_wait3A_209 = arith.constant 0 : i32
      %dma_wait3A_210 = arith.constant 0 : i32
      %dma_wait3A_211 = tpu.memref_slice %arg14[%dma_wait3A_209, %dma_wait3A_210] : memref<256x64xf32, #tpu.memory_space<vmem>> -> memref<128x64xf32, #tpu.memory_space<vmem>>
      %dma_wait3A_212 = arith.constant 0 : i32
      %dma_wait3A_213 = tpu.memref_slice %arg16[%add3A_13, %dma_wait3A_212] : memref<10112x64xf32, #tpu.memory_space<vmem_shared>> -> memref<128x64xf32, #tpu.memory_space<vmem_shared>>
      %dma_wait3A_214 = arith.constant 0 : i32
      %dma_wait3A_215 = tpu.memref_slice %arg16[%add3A_13, %dma_wait3A_214] : memref<10112x64xf32, #tpu.memory_space<vmem_shared>> -> memref<128x64xf32, #tpu.memory_space<vmem_shared>>
      %dma_wait3A_216 = arith.constant 0 : i32
      %dma_wait3A_217 = arith.constant 0 : i32
      %dma_wait3A_218 = tpu.memref_slice %arg14[%dma_wait3A_216, %dma_wait3A_217] : memref<256x64xf32, #tpu.memory_space<vmem>> -> memref<128x64xf32, #tpu.memory_space<vmem>>
      tpu.wait_dma2 semaphore(%run_scoped3A : memref<!tpu.dma_semaphore, #tpu.memory_space<semaphore_mem>>) src(%dma_wait3A_218 : memref<128x64xf32, #tpu.memory_space<vmem>>) dst(%dma_wait3A_215 : memref<128x64xf32, #tpu.memory_space<vmem_shared>>)
      tpu.yield
    }) : () -> ()
    %add3A_14 = arith.constant 128 : i32
    %add3A_15 = arith.addi %mul3A_11, %add3A_14 : i32
    "tpu.region"() ({
      %run_scoped3A = tpu.sem_alloc : memref<!tpu.dma_semaphore, #tpu.memory_space<semaphore_mem>>
      %dma_start3A_199 = arith.constant 0 : i32
      %dma_start3A_200 = arith.constant 0 : i32
      %dma_start3A_201 = tpu.memref_slice %arg14[%dma_start3A_199, %dma_start3A_200] : memref<256x64xf32, #tpu.memory_space<vmem>> -> memref<128x64xf32, #tpu.memory_space<vmem>>
      %dma_start3A_202 = arith.constant 0 : i32
      %dma_start3A_203 = tpu.memref_slice %arg16[%add3A_15, %dma_start3A_202] : memref<10112x64xf32, #tpu.memory_space<vmem_shared>> -> memref<128x64xf32, #tpu.memory_space<vmem_shared>>
      %dma_start3A_204 = arith.constant 0 : i32
      %dma_start3A_205 = tpu.memref_slice %arg16[%add3A_15, %dma_start3A_204] : memref<10112x64xf32, #tpu.memory_space<vmem_shared>> -> memref<128x64xf32, #tpu.memory_space<vmem_shared>>
      %dma_start3A_206 = arith.constant 0 : i32
      %dma_start3A_207 = arith.constant 0 : i32
      %dma_start3A_208 = tpu.memref_slice %arg14[%dma_start3A_206, %dma_start3A_207] : memref<256x64xf32, #tpu.memory_space<vmem>> -> memref<128x64xf32, #tpu.memory_space<vmem>>
      tpu.enqueue_dma source(%dma_start3A_208 : memref<128x64xf32, #tpu.memory_space<vmem>>) target(%dma_start3A_205 : memref<128x64xf32, #tpu.memory_space<vmem_shared>>) target_semaphore(%run_scoped3A : memref<!tpu.dma_semaphore, #tpu.memory_space<semaphore_mem>>)
      %dma_wait3A_209 = arith.constant 0 : i32
      %dma_wait3A_210 = arith.constant 0 : i32
      %dma_wait3A_211 = tpu.memref_slice %arg14[%dma_wait3A_209, %dma_wait3A_210] : memref<256x64xf32, #tpu.memory_space<vmem>> -> memref<128x64xf32, #tpu.memory_space<vmem>>
      %dma_wait3A_212 = arith.constant 0 : i32
      %dma_wait3A_213 = tpu.memref_slice %arg16[%add3A_15, %dma_wait3A_212] : memref<10112x64xf32, #tpu.memory_space<vmem_shared>> -> memref<128x64xf32, #tpu.memory_space<vmem_shared>>
      %dma_wait3A_214 = arith.constant 0 : i32
      %dma_wait3A_215 = tpu.memref_slice %arg16[%add3A_15, %dma_wait3A_214] : memref<10112x64xf32, #tpu.memory_space<vmem_shared>> -> memref<128x64xf32, #tpu.memory_space<vmem_shared>>
      %dma_wait3A_216 = arith.constant 0 : i32
      %dma_wait3A_217 = arith.constant 0 : i32
      %dma_wait3A_218 = tpu.memref_slice %arg14[%dma_wait3A_216, %dma_wait3A_217] : memref<256x64xf32, #tpu.memory_space<vmem>> -> memref<128x64xf32, #tpu.memory_space<vmem>>
      tpu.wait_dma2 semaphore(%run_scoped3A : memref<!tpu.dma_semaphore, #tpu.memory_space<semaphore_mem>>) src(%dma_wait3A_218 : memref<128x64xf32, #tpu.memory_space<vmem>>) dst(%dma_wait3A_215 : memref<128x64xf32, #tpu.memory_space<vmem_shared>>)
      tpu.yield
    }) : () -> ()
    %add3A_16 = arith.constant 256 : i32
    %add3A_17 = arith.addi %mul3A_11, %add3A_16 : i32
    "tpu.region"() ({
      %run_scoped3A = tpu.sem_alloc : memref<!tpu.dma_semaphore, #tpu.memory_space<semaphore_mem>>
      %dma_start3A_199 = arith.constant 0 : i32
      %dma_start3A_200 = arith.constant 0 : i32
      %dma_start3A_201 = tpu.memref_slice %arg14[%dma_start3A_199, %dma_start3A_200] : memref<256x64xf32, #tpu.memory_space<vmem>> -> memref<128x64xf32, #tpu.memory_space<vmem>>
      %dma_start3A_202 = arith.constant 0 : i32
      %dma_start3A_203 = tpu.memref_slice %arg16[%add3A_17, %dma_start3A_202] : memref<10112x64xf32, #tpu.memory_space<vmem_shared>> -> memref<128x64xf32, #tpu.memory_space<vmem_shared>>
      %dma_start3A_204 = arith.constant 0 : i32
      %dma_start3A_205 = tpu.memref_slice %arg16[%add3A_17, %dma_start3A_204] : memref<10112x64xf32, #tpu.memory_space<vmem_shared>> -> memref<128x64xf32, #tpu.memory_space<vmem_shared>>
      %dma_start3A_206 = arith.constant 0 : i32
      %dma_start3A_207 = arith.constant 0 : i32
      %dma_start3A_208 = tpu.memref_slice %arg14[%dma_start3A_206, %dma_start3A_207] : memref<256x64xf32, #tpu.memory_space<vmem>> -> memref<128x64xf32, #tpu.memory_space<vmem>>
      tpu.enqueue_dma source(%dma_start3A_208 : memref<128x64xf32, #tpu.memory_space<vmem>>) target(%dma_start3A_205 : memref<128x64xf32, #tpu.memory_space<vmem_shared>>) target_semaphore(%run_scoped3A : memref<!tpu.dma_semaphore, #tpu.memory_space<semaphore_mem>>)
      %dma_wait3A_209 = arith.constant 0 : i32
      %dma_wait3A_210 = arith.constant 0 : i32
      %dma_wait3A_211 = tpu.memref_slice %arg14[%dma_wait3A_209, %dma_wait3A_210] : memref<256x64xf32, #tpu.memory_space<vmem>> -> memref<128x64xf32, #tpu.memory_space<vmem>>
      %dma_wait3A_212 = arith.constant 0 : i32
      %dma_wait3A_213 = tpu.memref_slice %arg16[%add3A_17, %dma_wait3A_212] : memref<10112x64xf32, #tpu.memory_space<vmem_shared>> -> memref<128x64xf32, #tpu.memory_space<vmem_shared>>
      %dma_wait3A_214 = arith.constant 0 : i32
      %dma_wait3A_215 = tpu.memref_slice %arg16[%add3A_17, %dma_wait3A_214] : memref<10112x64xf32, #tpu.memory_space<vmem_shared>> -> memref<128x64xf32, #tpu.memory_space<vmem_shared>>
      %dma_wait3A_216 = arith.constant 0 : i32
      %dma_wait3A_217 = arith.constant 0 : i32
      %dma_wait3A_218 = tpu.memref_slice %arg14[%dma_wait3A_216, %dma_wait3A_217] : memref<256x64xf32, #tpu.memory_space<vmem>> -> memref<128x64xf32, #tpu.memory_space<vmem>>
      tpu.wait_dma2 semaphore(%run_scoped3A : memref<!tpu.dma_semaphore, #tpu.memory_space<semaphore_mem>>) src(%dma_wait3A_218 : memref<128x64xf32, #tpu.memory_space<vmem>>) dst(%dma_wait3A_215 : memref<128x64xf32, #tpu.memory_space<vmem_shared>>)
      tpu.yield
    }) : () -> ()
    %add3A_18 = arith.constant 384 : i32
    %add3A_19 = arith.addi %mul3A_11, %add3A_18 : i32
    "tpu.region"() ({
      %run_scoped3A = tpu.sem_alloc : memref<!tpu.dma_semaphore, #tpu.memory_space<semaphore_mem>>
      %dma_start3A_199 = arith.constant 0 : i32
      %dma_start3A_200 = arith.constant 0 : i32
      %dma_start3A_201 = tpu.memref_slice %arg14[%dma_start3A_199, %dma_start3A_200] : memref<256x64xf32, #tpu.memory_space<vmem>> -> memref<128x64xf32, #tpu.memory_space<vmem>>
      %dma_start3A_202 = arith.constant 0 : i32
      %dma_start3A_203 = tpu.memref_slice %arg16[%add3A_19, %dma_start3A_202] : memref<10112x64xf32, #tpu.memory_space<vmem_shared>> -> memref<128x64xf32, #tpu.memory_space<vmem_shared>>
      %dma_start3A_204 = arith.constant 0 : i32
      %dma_start3A_205 = tpu.memref_slice %arg16[%add3A_19, %dma_start3A_204] : memref<10112x64xf32, #tpu.memory_space<vmem_shared>> -> memref<128x64xf32, #tpu.memory_space<vmem_shared>>
      %dma_start3A_206 = arith.constant 0 : i32
      %dma_start3A_207 = arith.constant 0 : i32
      %dma_start3A_208 = tpu.memref_slice %arg14[%dma_start3A_206, %dma_start3A_207] : memref<256x64xf32, #tpu.memory_space<vmem>> -> memref<128x64xf32, #tpu.memory_space<vmem>>
      tpu.enqueue_dma source(%dma_start3A_208 : memref<128x64xf32, #tpu.memory_space<vmem>>) target(%dma_start3A_205 : memref<128x64xf32, #tpu.memory_space<vmem_shared>>) target_semaphore(%run_scoped3A : memref<!tpu.dma_semaphore, #tpu.memory_space<semaphore_mem>>)
      %dma_wait3A_209 = arith.constant 0 : i32
      %dma_wait3A_210 = arith.constant 0 : i32
      %dma_wait3A_211 = tpu.memref_slice %arg14[%dma_wait3A_209, %dma_wait3A_210] : memref<256x64xf32, #tpu.memory_space<vmem>> -> memref<128x64xf32, #tpu.memory_space<vmem>>
      %dma_wait3A_212 = arith.constant 0 : i32
      %dma_wait3A_213 = tpu.memref_slice %arg16[%add3A_19, %dma_wait3A_212] : memref<10112x64xf32, #tpu.memory_space<vmem_shared>> -> memref<128x64xf32, #tpu.memory_space<vmem_shared>>
      %dma_wait3A_214 = arith.constant 0 : i32
      %dma_wait3A_215 = tpu.memref_slice %arg16[%add3A_19, %dma_wait3A_214] : memref<10112x64xf32, #tpu.memory_space<vmem_shared>> -> memref<128x64xf32, #tpu.memory_space<vmem_shared>>
      %dma_wait3A_216 = arith.constant 0 : i32
      %dma_wait3A_217 = arith.constant 0 : i32
      %dma_wait3A_218 = tpu.memref_slice %arg14[%dma_wait3A_216, %dma_wait3A_217] : memref<256x64xf32, #tpu.memory_space<vmem>> -> memref<128x64xf32, #tpu.memory_space<vmem>>
      tpu.wait_dma2 semaphore(%run_scoped3A : memref<!tpu.dma_semaphore, #tpu.memory_space<semaphore_mem>>) src(%dma_wait3A_218 : memref<128x64xf32, #tpu.memory_space<vmem>>) dst(%dma_wait3A_215 : memref<128x64xf32, #tpu.memory_space<vmem_shared>>)
      tpu.yield
    }) : () -> ()
    %add3A_20 = arith.constant 512 : i32
    %add3A_21 = arith.addi %mul3A_11, %add3A_20 : i32
    "tpu.region"() ({
      %run_scoped3A = tpu.sem_alloc : memref<!tpu.dma_semaphore, #tpu.memory_space<semaphore_mem>>
      %dma_start3A_199 = arith.constant 0 : i32
      %dma_start3A_200 = arith.constant 0 : i32
      %dma_start3A_201 = tpu.memref_slice %arg14[%dma_start3A_199, %dma_start3A_200] : memref<256x64xf32, #tpu.memory_space<vmem>> -> memref<120x64xf32, #tpu.memory_space<vmem>>
      %dma_start3A_202 = arith.constant 0 : i32
      %dma_start3A_203 = tpu.memref_slice %arg16[%add3A_21, %dma_start3A_202] : memref<10112x64xf32, #tpu.memory_space<vmem_shared>> -> memref<120x64xf32, #tpu.memory_space<vmem_shared>>
      %dma_start3A_204 = arith.constant 0 : i32
      %dma_start3A_205 = tpu.memref_slice %arg16[%add3A_21, %dma_start3A_204] : memref<10112x64xf32, #tpu.memory_space<vmem_shared>> -> memref<120x64xf32, #tpu.memory_space<vmem_shared>>
      %dma_start3A_206 = arith.constant 0 : i32
      %dma_start3A_207 = arith.constant 0 : i32
      %dma_start3A_208 = tpu.memref_slice %arg14[%dma_start3A_206, %dma_start3A_207] : memref<256x64xf32, #tpu.memory_space<vmem>> -> memref<120x64xf32, #tpu.memory_space<vmem>>
      tpu.enqueue_dma source(%dma_start3A_208 : memref<120x64xf32, #tpu.memory_space<vmem>>) target(%dma_start3A_205 : memref<120x64xf32, #tpu.memory_space<vmem_shared>>) target_semaphore(%run_scoped3A : memref<!tpu.dma_semaphore, #tpu.memory_space<semaphore_mem>>)
      %dma_wait3A_209 = arith.constant 0 : i32
      %dma_wait3A_210 = arith.constant 0 : i32
      %dma_wait3A_211 = tpu.memref_slice %arg14[%dma_wait3A_209, %dma_wait3A_210] : memref<256x64xf32, #tpu.memory_space<vmem>> -> memref<120x64xf32, #tpu.memory_space<vmem>>
      %dma_wait3A_212 = arith.constant 0 : i32
      %dma_wait3A_213 = tpu.memref_slice %arg16[%add3A_21, %dma_wait3A_212] : memref<10112x64xf32, #tpu.memory_space<vmem_shared>> -> memref<120x64xf32, #tpu.memory_space<vmem_shared>>
      %dma_wait3A_214 = arith.constant 0 : i32
      %dma_wait3A_215 = tpu.memref_slice %arg16[%add3A_21, %dma_wait3A_214] : memref<10112x64xf32, #tpu.memory_space<vmem_shared>> -> memref<120x64xf32, #tpu.memory_space<vmem_shared>>
      %dma_wait3A_216 = arith.constant 0 : i32
      %dma_wait3A_217 = arith.constant 0 : i32
      %dma_wait3A_218 = tpu.memref_slice %arg14[%dma_wait3A_216, %dma_wait3A_217] : memref<256x64xf32, #tpu.memory_space<vmem>> -> memref<120x64xf32, #tpu.memory_space<vmem>>
      tpu.wait_dma2 semaphore(%run_scoped3A : memref<!tpu.dma_semaphore, #tpu.memory_space<semaphore_mem>>) src(%dma_wait3A_218 : memref<120x64xf32, #tpu.memory_space<vmem>>) dst(%dma_wait3A_215 : memref<120x64xf32, #tpu.memory_space<vmem_shared>>)
      tpu.yield
    }) : () -> ()
    %broadcast_in_dim3A = arith.constant 10000 : i32
    %broadcast_in_dim3A_22 = vector.broadcast %broadcast_in_dim3A : i32 to vector<16xi32>
    %swap3A = arith.constant 0 : i32
    %swap3A_23 = arith.index_cast %swap3A : i32 to index
    %swap3A_24 = arith.constant 0 : index
    %swap3A_25 = tpu.vector_load %arg9[%swap3A_23, %swap3A_24] {strides = array<i32>} : memref<1x128xi32, #tpu.memory_space<vmem>>, vector<16xi32>,
    tpu.vector_store %arg9[%swap3A_23, %swap3A_24], %broadcast_in_dim3A_22 {strides = array<i32>} : memref<1x128xi32, #tpu.memory_space<vmem>>, vector<16xi32>,
    %broadcast_in_dim3A_26 = arith.constant 10000 : i32
    %broadcast_in_dim3A_27 = vector.broadcast %broadcast_in_dim3A_26 : i32 to vector<16xi32>
    %swap3A_28 = arith.constant 0 : i32
    %swap3A_29 = arith.index_cast %swap3A_28 : i32 to index
    %swap3A_30 = arith.constant 16 : index
    %swap3A_31 = tpu.vector_load %arg9[%swap3A_29, %swap3A_30] {strides = array<i32>} : memref<1x128xi32, #tpu.memory_space<vmem>>, vector<16xi32>,
    tpu.vector_store %arg9[%swap3A_29, %swap3A_30], %broadcast_in_dim3A_27 {strides = array<i32>} : memref<1x128xi32, #tpu.memory_space<vmem>>, vector<16xi32>,
    %broadcast_in_dim3A_32 = arith.constant 10000 : i32
    %broadcast_in_dim3A_33 = vector.broadcast %broadcast_in_dim3A_32 : i32 to vector<16xi32>
    %swap3A_34 = arith.constant 0 : i32
    %swap3A_35 = arith.index_cast %swap3A_34 : i32 to index
    %swap3A_36 = arith.constant 32 : index
    %swap3A_37 = tpu.vector_load %arg9[%swap3A_35, %swap3A_36] {strides = array<i32>} : memref<1x128xi32, #tpu.memory_space<vmem>>, vector<16xi32>,
    tpu.vector_store %arg9[%swap3A_35, %swap3A_36], %broadcast_in_dim3A_33 {strides = array<i32>} : memref<1x128xi32, #tpu.memory_space<vmem>>, vector<16xi32>,
    %broadcast_in_dim3A_38 = arith.constant 10000 : i32
    %broadcast_in_dim3A_39 = vector.broadcast %broadcast_in_dim3A_38 : i32 to vector<16xi32>
    %swap3A_40 = arith.constant 0 : i32
    %swap3A_41 = arith.index_cast %swap3A_40 : i32 to index
    %swap3A_42 = arith.constant 48 : index
    %swap3A_43 = tpu.vector_load %arg9[%swap3A_41, %swap3A_42] {strides = array<i32>} : memref<1x128xi32, #tpu.memory_space<vmem>>, vector<16xi32>,
    tpu.vector_store %arg9[%swap3A_41, %swap3A_42], %broadcast_in_dim3A_39 {strides = array<i32>} : memref<1x128xi32, #tpu.memory_space<vmem>>, vector<16xi32>,
    %broadcast_in_dim3A_44 = arith.constant 10000 : i32
    %broadcast_in_dim3A_45 = vector.broadcast %broadcast_in_dim3A_44 : i32 to vector<16xi32>
    %swap3A_46 = arith.constant 0 : i32
    %swap3A_47 = arith.index_cast %swap3A_46 : i32 to index
    %swap3A_48 = arith.constant 64 : index
    %swap3A_49 = tpu.vector_load %arg9[%swap3A_47, %swap3A_48] {strides = array<i32>} : memref<1x128xi32, #tpu.memory_space<vmem>>, vector<16xi32>,
    tpu.vector_store %arg9[%swap3A_47, %swap3A_48], %broadcast_in_dim3A_45 {strides = array<i32>} : memref<1x128xi32, #tpu.memory_space<vmem>>, vector<16xi32>,
    %broadcast_in_dim3A_50 = arith.constant 10000 : i32
    %broadcast_in_dim3A_51 = vector.broadcast %broadcast_in_dim3A_50 : i32 to vector<16xi32>
    %swap3A_52 = arith.constant 0 : i32
    %swap3A_53 = arith.index_cast %swap3A_52 : i32 to index
    %swap3A_54 = arith.constant 80 : index
    %swap3A_55 = tpu.vector_load %arg9[%swap3A_53, %swap3A_54] {strides = array<i32>} : memref<1x128xi32, #tpu.memory_space<vmem>>, vector<16xi32>,
    tpu.vector_store %arg9[%swap3A_53, %swap3A_54], %broadcast_in_dim3A_51 {strides = array<i32>} : memref<1x128xi32, #tpu.memory_space<vmem>>, vector<16xi32>,
    %broadcast_in_dim3A_56 = arith.constant 10000 : i32
    %broadcast_in_dim3A_57 = vector.broadcast %broadcast_in_dim3A_56 : i32 to vector<16xi32>
    %swap3A_58 = arith.constant 0 : i32
    %swap3A_59 = arith.index_cast %swap3A_58 : i32 to index
    %swap3A_60 = arith.constant 96 : index
    %swap3A_61 = tpu.vector_load %arg9[%swap3A_59, %swap3A_60] {strides = array<i32>} : memref<1x128xi32, #tpu.memory_space<vmem>>, vector<16xi32>,
    tpu.vector_store %arg9[%swap3A_59, %swap3A_60], %broadcast_in_dim3A_57 {strides = array<i32>} : memref<1x128xi32, #tpu.memory_space<vmem>>, vector<16xi32>,
    %broadcast_in_dim3A_62 = arith.constant 10000 : i32
    %broadcast_in_dim3A_63 = vector.broadcast %broadcast_in_dim3A_62 : i32 to vector<16xi32>
    %swap3A_64 = arith.constant 0 : i32
    %swap3A_65 = arith.index_cast %swap3A_64 : i32 to index
    %swap3A_66 = arith.constant 112 : index
    %swap3A_67 = tpu.vector_load %arg9[%swap3A_65, %swap3A_66] {strides = array<i32>} : memref<1x128xi32, #tpu.memory_space<vmem>>, vector<16xi32>,
    tpu.vector_store %arg9[%swap3A_65, %swap3A_66], %broadcast_in_dim3A_63 {strides = array<i32>} : memref<1x128xi32, #tpu.memory_space<vmem>>, vector<16xi32>,
    %barrier3A = arith.constant 0 : index
    tpu.barrier barrier_id(%barrier3A)
    %dma_start3A = arith.constant 0 : i32
    %dma_start3A_68 = arith.constant 0 : i32
    %dma_start3A_69 = arith.constant 0 : i32
    %dma_start3A_70 = tpu.memref_slice %arg14[%dma_start3A_68, %dma_start3A_69] : memref<256x64xf32, #tpu.memory_space<vmem>> -> memref<128x64xf32, #tpu.memory_space<vmem>>
    %dma_start3A_71 = arith.constant 0 : i32
    %dma_start3A_72 = tpu.memref_slice %arg9[%dma_start3A, %dma_start3A_71] : memref<1x128xi32, #tpu.memory_space<vmem>> -> memref<1x128xi32, #tpu.memory_space<vmem>>
    %dma_start3A_73 = tpu.memref_squeeze %dma_start3A_72 : memref<1x128xi32, #tpu.memory_space<vmem>> -> memref<128xi32, #tpu.memory_space<vmem>>
    %dma_start3A_74 = arith.constant 0 : i32
    %dma_start3A_75 = arith.constant 0 : i32
    %dma_start3A_76 = tpu.memref_slice %arg16[%dma_start3A_74, %dma_start3A_75] : memref<10112x64xf32, #tpu.memory_space<vmem_shared>> -> memref<10112x64xf32, #tpu.memory_space<vmem_shared>>
    tpu.enqueue_indirect_dma source(%dma_start3A_70 : memref<128x64xf32, #tpu.memory_space<vmem>>) target(%dma_start3A_76 : memref<10112x64xf32, #tpu.memory_space<vmem_shared>>) offsets(%dma_start3A_73 : memref<128xi32, #tpu.memory_space<vmem>>) semaphore(%arg21 : memref<!tpu.dma_semaphore, #tpu.memory_space<semaphore_mem>>) {add = true}
    %dma_start3A_77 = arith.constant 0 : i32
    %dma_start3A_78 = arith.constant 128 : i32
    %dma_start3A_79 = arith.constant 0 : i32
    %dma_start3A_80 = tpu.memref_slice %arg14[%dma_start3A_78, %dma_start3A_79] : memref<256x64xf32, #tpu.memory_space<vmem>> -> memref<128x64xf32, #tpu.memory_space<vmem>>
    %dma_start3A_81 = arith.constant 0 : i32
    %dma_start3A_82 = tpu.memref_slice %arg9[%dma_start3A_77, %dma_start3A_81] : memref<1x128xi32, #tpu.memory_space<vmem>> -> memref<1x128xi32, #tpu.memory_space<vmem>>
    %dma_start3A_83 = tpu.memref_squeeze %dma_start3A_82 : memref<1x128xi32, #tpu.memory_space<vmem>> -> memref<128xi32, #tpu.memory_space<vmem>>
    %dma_start3A_84 = arith.constant 0 : i32
    %dma_start3A_85 = arith.constant 0 : i32
    %dma_start3A_86 = tpu.memref_slice %arg16[%dma_start3A_84, %dma_start3A_85] : memref<10112x64xf32, #tpu.memory_space<vmem_shared>> -> memref<10112x64xf32, #tpu.memory_space<vmem_shared>>
    tpu.enqueue_indirect_dma source(%dma_start3A_80 : memref<128x64xf32, #tpu.memory_space<vmem>>) target(%dma_start3A_86 : memref<10112x64xf32, #tpu.memory_space<vmem_shared>>) offsets(%dma_start3A_83 : memref<128xi32, #tpu.memory_space<vmem>>) semaphore(%arg21 : memref<!tpu.dma_semaphore, #tpu.memory_space<semaphore_mem>>) {add = true}
    %mul3A_87 = arith.constant 2 : i32
    %mul3A_88 = arith.constant 0 : i32
    %mul3A_89 = arith.muli %mul3A_87, %mul3A_88 : i32
    %add3A_90 = arith.constant 0 : i32
    %add3A_91 = arith.addi %mul3A_89, %add3A_90 : i32
    %dma_start3A_92 = arith.constant 0 : i32
    %dma_start3A_93 = arith.constant 0 : i32
    %dma_start3A_94 = tpu.memref_slice %arg10[%dma_start3A_92, %dma_start3A_93] : memref<256x32xi32, #tpu.memory_space<vmem>> -> memref<128x32xi32, #tpu.memory_space<vmem>>
    %dma_start3A_95 = arith.constant 0 : i32
    %dma_start3A_96 = tpu.memref_slice %arg7[%add3A_91, %dma_start3A_95] : memref<80x128xi32, #tpu.memory_space<vmem>> -> memref<1x128xi32, #tpu.memory_space<vmem>>
    %dma_start3A_97 = tpu.memref_squeeze %dma_start3A_96 : memref<1x128xi32, #tpu.memory_space<vmem>> -> memref<128xi32, #tpu.memory_space<vmem>>
    %dma_start3A_98 = arith.constant 0 : i32
    %dma_start3A_99 = arith.constant 0 : i32
    %dma_start3A_100 = tpu.memref_slice %arg2[%dma_start3A_98, %dma_start3A_99] : memref<10112x32xi32, #tpu.memory_space<hbm>> -> memref<10112x32xi32, #tpu.memory_space<hbm>>
    tpu.enqueue_indirect_dma source(%dma_start3A_100 : memref<10112x32xi32, #tpu.memory_space<hbm>>) target(%dma_start3A_94 : memref<128x32xi32, #tpu.memory_space<vmem>>) offsets(%dma_start3A_97 : memref<128xi32, #tpu.memory_space<vmem>>) semaphore(%arg17 : memref<!tpu.dma_semaphore, #tpu.memory_space<semaphore_mem>>)
    %mul3A_101 = arith.constant 2 : i32
    %mul3A_102 = arith.constant 0 : i32
    %mul3A_103 = arith.muli %mul3A_101, %mul3A_102 : i32
    %add3A_104 = arith.constant 1 : i32
    %add3A_105 = arith.addi %mul3A_103, %add3A_104 : i32
    %dma_start3A_106 = arith.constant 128 : i32
    %dma_start3A_107 = arith.constant 0 : i32
    %dma_start3A_108 = tpu.memref_slice %arg10[%dma_start3A_106, %dma_start3A_107] : memref<256x32xi32, #tpu.memory_space<vmem>> -> memref<128x32xi32, #tpu.memory_space<vmem>>
    %dma_start3A_109 = arith.constant 0 : i32
    %dma_start3A_110 = tpu.memref_slice %arg7[%add3A_105, %dma_start3A_109] : memref<80x128xi32, #tpu.memory_space<vmem>> -> memref<1x128xi32, #tpu.memory_space<vmem>>
    %dma_start3A_111 = tpu.memref_squeeze %dma_start3A_110 : memref<1x128xi32, #tpu.memory_space<vmem>> -> memref<128xi32, #tpu.memory_space<vmem>>
    %dma_start3A_112 = arith.constant 0 : i32
    %dma_start3A_113 = arith.constant 0 : i32
    %dma_start3A_114 = tpu.memref_slice %arg2[%dma_start3A_112, %dma_start3A_113] : memref<10112x32xi32, #tpu.memory_space<hbm>> -> memref<10112x32xi32, #tpu.memory_space<hbm>>
    tpu.enqueue_indirect_dma source(%dma_start3A_114 : memref<10112x32xi32, #tpu.memory_space<hbm>>) target(%dma_start3A_108 : memref<128x32xi32, #tpu.memory_space<vmem>>) offsets(%dma_start3A_111 : memref<128xi32, #tpu.memory_space<vmem>>) semaphore(%arg17 : memref<!tpu.dma_semaphore, #tpu.memory_space<semaphore_mem>>)
    %mul3A_115 = arith.constant 80 : i32
    %mul3A_116 = arith.muli %add3A, %mul3A_115 : i32
    %mul3A_117 = arith.constant 2 : i32
    %mul3A_118 = arith.constant 0 : i32
    %mul3A_119 = arith.muli %mul3A_117, %mul3A_118 : i32
    %add3A_120 = arith.addi %mul3A_116, %mul3A_119 : i32
    %mul3A_121 = arith.constant 128 : i32
    %mul3A_122 = arith.muli %add3A_120, %mul3A_121 : i32
    %dma_start3A_123 = arith.constant 0 : i32
    %dma_start3A_124 = tpu.memref_slice %arg5[%mul3A_122, %dma_start3A_123] : memref<327680x32xi32, #tpu.memory_space<hbm>> -> memref<256x32xi32, #tpu.memory_space<hbm>>
    %dma_start3A_125 = arith.constant 0 : i32
    %dma_start3A_126 = tpu.memref_slice %arg5[%mul3A_122, %dma_start3A_125] : memref<327680x32xi32, #tpu.memory_space<hbm>> -> memref<256x32xi32, #tpu.memory_space<hbm>>
    tpu.enqueue_dma source(%dma_start3A_126 : memref<256x32xi32, #tpu.memory_space<hbm>>) target(%arg12 : memref<256x32xi32, #tpu.memory_space<vmem>>) target_semaphore(%arg19 : memref<!tpu.dma_semaphore, #tpu.memory_space<semaphore_mem>>)
    %scan3A_127 = arith.constant 0 : i32
    %scan3A_128 = arith.constant 0 : i32
    %scan3A_129 = arith.constant 20 : i32
    %scan3A_130 = arith.addi %scan3A_128, %scan3A_129 : i32
    %scan3A_131 = arith.constant 1 : i32
    scf.for %scan3A_199 = %scan3A_128 to %scan3A_130 step %scan3A_131  : i32 {
      %mul3A_200 = arith.constant 2 : i32
      %mul3A_201 = arith.muli %mul3A_200, %scan3A_199 : i32
      %add3A_202 = arith.constant 0 : i32
      %add3A_203 = arith.addi %mul3A_201, %add3A_202 : i32
      %dma_wait3A_204 = arith.constant 0 : i32
      %dma_wait3A_205 = arith.constant 0 : i32
      %dma_wait3A_206 = arith.constant 0 : i32
      %dma_wait3A_207 = tpu.memref_slice %arg10[%dma_wait3A_205, %dma_wait3A_206] : memref<256x32xi32, #tpu.memory_space<vmem>> -> memref<128x32xi32, #tpu.memory_space<vmem>>
      %dma_wait3A_208 = arith.constant 0 : i32
      %dma_wait3A_209 = tpu.memref_slice %arg7[%dma_wait3A_204, %dma_wait3A_208] : memref<80x128xi32, #tpu.memory_space<vmem>> -> memref<1x128xi32, #tpu.memory_space<vmem>>
      %dma_wait3A_210 = tpu.memref_squeeze %dma_wait3A_209 : memref<1x128xi32, #tpu.memory_space<vmem>> -> memref<128xi32, #tpu.memory_space<vmem>>
      %dma_wait3A_211 = arith.constant 0 : i32
      %dma_wait3A_212 = arith.constant 0 : i32
      %dma_wait3A_213 = tpu.memref_slice %arg2[%dma_wait3A_211, %dma_wait3A_212] : memref<10112x32xi32, #tpu.memory_space<hbm>> -> memref<10112x32xi32, #tpu.memory_space<hbm>>
      tpu.wait_indirect_dma semaphore(%arg17 : memref<!tpu.dma_semaphore, #tpu.memory_space<semaphore_mem>>) src(%dma_wait3A_213 : memref<10112x32xi32, #tpu.memory_space<hbm>>) dst(%dma_wait3A_207 : memref<128x32xi32, #tpu.memory_space<vmem>>)
      %dma_wait3A_214 = arith.constant 1 : i32
      %dma_wait3A_215 = arith.constant 128 : i32
      %dma_wait3A_216 = arith.constant 0 : i32
      %dma_wait3A_217 = tpu.memref_slice %arg10[%dma_wait3A_215, %dma_wait3A_216] : memref<256x32xi32, #tpu.memory_space<vmem>> -> memref<128x32xi32, #tpu.memory_space<vmem>>
      %dma_wait3A_218 = arith.constant 0 : i32
      %dma_wait3A_219 = tpu.memref_slice %arg7[%dma_wait3A_214, %dma_wait3A_218] : memref<80x128xi32, #tpu.memory_space<vmem>> -> memref<1x128xi32, #tpu.memory_space<vmem>>
      %dma_wait3A_220 = tpu.memref_squeeze %dma_wait3A_219 : memref<1x128xi32, #tpu.memory_space<vmem>> -> memref<128xi32, #tpu.memory_space<vmem>>
      %dma_wait3A_221 = arith.constant 0 : i32
      %dma_wait3A_222 = arith.constant 0 : i32
      %dma_wait3A_223 = tpu.memref_slice %arg2[%dma_wait3A_221, %dma_wait3A_222] : memref<10112x32xi32, #tpu.memory_space<hbm>> -> memref<10112x32xi32, #tpu.memory_space<hbm>>
      tpu.wait_indirect_dma semaphore(%arg17 : memref<!tpu.dma_semaphore, #tpu.memory_space<semaphore_mem>>) src(%dma_wait3A_223 : memref<10112x32xi32, #tpu.memory_space<hbm>>) dst(%dma_wait3A_217 : memref<128x32xi32, #tpu.memory_space<vmem>>)
      %dma_wait3A_224 = arith.constant 0 : i32
      %dma_wait3A_225 = arith.constant 0 : i32
      %dma_wait3A_226 = tpu.memref_slice %arg5[%dma_wait3A_224, %dma_wait3A_225] : memref<327680x32xi32, #tpu.memory_space<hbm>> -> memref<256x32xi32, #tpu.memory_space<hbm>>
      %dma_wait3A_227 = arith.constant 0 : i32
      %dma_wait3A_228 = arith.constant 0 : i32
      %dma_wait3A_229 = tpu.memref_slice %arg5[%dma_wait3A_227, %dma_wait3A_228] : memref<327680x32xi32, #tpu.memory_space<hbm>> -> memref<256x32xi32, #tpu.memory_space<hbm>>
      tpu.wait_dma2 semaphore(%arg19 : memref<!tpu.dma_semaphore, #tpu.memory_space<semaphore_mem>>) src(%dma_wait3A_229 : memref<256x32xi32, #tpu.memory_space<hbm>>) dst(%arg12 : memref<256x32xi32, #tpu.memory_space<vmem>>)
      %dma_wait3A_230 = arith.constant 0 : i32
      %dma_wait3A_231 = arith.constant 0 : i32
      %dma_wait3A_232 = arith.constant 0 : i32
      %dma_wait3A_233 = tpu.memref_slice %arg14[%dma_wait3A_231, %dma_wait3A_232] : memref<256x64xf32, #tpu.memory_space<vmem>> -> memref<128x64xf32, #tpu.memory_space<vmem>>
      %dma_wait3A_234 = arith.constant 0 : i32
      %dma_wait3A_235 = tpu.memref_slice %arg9[%dma_wait3A_230, %dma_wait3A_234] : memref<1x128xi32, #tpu.memory_space<vmem>> -> memref<1x128xi32, #tpu.memory_space<vmem>>
      %dma_wait3A_236 = tpu.memref_squeeze %dma_wait3A_235 : memref<1x128xi32, #tpu.memory_space<vmem>> -> memref<128xi32, #tpu.memory_space<vmem>>
      %dma_wait3A_237 = arith.constant 0 : i32
      %dma_wait3A_238 = arith.constant 0 : i32
      %dma_wait3A_239 = tpu.memref_slice %arg16[%dma_wait3A_237, %dma_wait3A_238] : memref<10112x64xf32, #tpu.memory_space<vmem_shared>> -> memref<10112x64xf32, #tpu.memory_space<vmem_shared>>
      tpu.wait_indirect_dma semaphore(%arg21 : memref<!tpu.dma_semaphore, #tpu.memory_space<semaphore_mem>>) src(%dma_wait3A_233 : memref<128x64xf32, #tpu.memory_space<vmem>>) dst(%dma_wait3A_239 : memref<10112x64xf32, #tpu.memory_space<vmem_shared>>)
      %dma_wait3A_240 = arith.constant 0 : i32
      %dma_wait3A_241 = arith.constant 128 : i32
      %dma_wait3A_242 = arith.constant 0 : i32
      %dma_wait3A_243 = tpu.memref_slice %arg14[%dma_wait3A_241, %dma_wait3A_242] : memref<256x64xf32, #tpu.memory_space<vmem>> -> memref<128x64xf32, #tpu.memory_space<vmem>>
      %dma_wait3A_244 = arith.constant 0 : i32
      %dma_wait3A_245 = tpu.memref_slice %arg9[%dma_wait3A_240, %dma_wait3A_244] : memref<1x128xi32, #tpu.memory_space<vmem>> -> memref<1x128xi32, #tpu.memory_space<vmem>>
      %dma_wait3A_246 = tpu.memref_squeeze %dma_wait3A_245 : memref<1x128xi32, #tpu.memory_space<vmem>> -> memref<128xi32, #tpu.memory_space<vmem>>
      %dma_wait3A_247 = arith.constant 0 : i32
      %dma_wait3A_248 = arith.constant 0 : i32
      %dma_wait3A_249 = tpu.memref_slice %arg16[%dma_wait3A_247, %dma_wait3A_248] : memref<10112x64xf32, #tpu.memory_space<vmem_shared>> -> memref<10112x64xf32, #tpu.memory_space<vmem_shared>>
      tpu.wait_indirect_dma semaphore(%arg21 : memref<!tpu.dma_semaphore, #tpu.memory_space<semaphore_mem>>) src(%dma_wait3A_243 : memref<128x64xf32, #tpu.memory_space<vmem>>) dst(%dma_wait3A_249 : memref<10112x64xf32, #tpu.memory_space<vmem_shared>>)
      %add3A_250 = arith.constant 1 : i32
      %add3A_251 = arith.addi %add3A_203, %add3A_250 : i32
      %min3A = arith.constant 39 : i32
      %min3A_252 = arith.minsi %add3A_251, %min3A : i32
      %mul3A_253 = arith.constant 2 : i32
      %mul3A_254 = arith.muli %mul3A_253, %min3A_252 : i32
      %add3A_255 = arith.constant 0 : i32
      %add3A_256 = arith.addi %mul3A_254, %add3A_255 : i32
      %dma_start3A_257 = arith.constant 0 : i32
      %dma_start3A_258 = arith.constant 0 : i32
      %dma_start3A_259 = tpu.memref_slice %arg11[%dma_start3A_257, %dma_start3A_258] : memref<256x32xi32, #tpu.memory_space<vmem>> -> memref<128x32xi32, #tpu.memory_space<vmem>>
      %dma_start3A_260 = arith.constant 0 : i32
      %dma_start3A_261 = tpu.memref_slice %arg7[%add3A_256, %dma_start3A_260] : memref<80x128xi32, #tpu.memory_space<vmem>> -> memref<1x128xi32, #tpu.memory_space<vmem>>
      %dma_start3A_262 = tpu.memref_squeeze %dma_start3A_261 : memref<1x128xi32, #tpu.memory_space<vmem>> -> memref<128xi32, #tpu.memory_space<vmem>>
      %dma_start3A_263 = arith.constant 0 : i32
      %dma_start3A_264 = arith.constant 0 : i32
      %dma_start3A_265 = tpu.memref_slice %arg2[%dma_start3A_263, %dma_start3A_264] : memref<10112x32xi32, #tpu.memory_space<hbm>> -> memref<10112x32xi32, #tpu.memory_space<hbm>>
      tpu.enqueue_indirect_dma source(%dma_start3A_265 : memref<10112x32xi32, #tpu.memory_space<hbm>>) target(%dma_start3A_259 : memref<128x32xi32, #tpu.memory_space<vmem>>) offsets(%dma_start3A_262 : memref<128xi32, #tpu.memory_space<vmem>>) semaphore(%arg18 : memref<!tpu.dma_semaphore, #tpu.memory_space<semaphore_mem>>)
      %mul3A_266 = arith.constant 2 : i32
      %mul3A_267 = arith.muli %mul3A_266, %min3A_252 : i32
      %add3A_268 = arith.constant 1 : i32
      %add3A_269 = arith.addi %mul3A_267, %add3A_268 : i32
      %dma_start3A_270 = arith.constant 128 : i32
      %dma_start3A_271 = arith.constant 0 : i32
      %dma_start3A_272 = tpu.memref_slice %arg11[%dma_start3A_270, %dma_start3A_271] : memref<256x32xi32, #tpu.memory_space<vmem>> -> memref<128x32xi32, #tpu.memory_space<vmem>>
      %dma_start3A_273 = arith.constant 0 : i32
      %dma_start3A_274 = tpu.memref_slice %arg7[%add3A_269, %dma_start3A_273] : memref<80x128xi32, #tpu.memory_space<vmem>> -> memref<1x128xi32, #tpu.memory_space<vmem>>
      %dma_start3A_275 = tpu.memref_squeeze %dma_start3A_274 : memref<1x128xi32, #tpu.memory_space<vmem>> -> memref<128xi32, #tpu.memory_space<vmem>>
      %dma_start3A_276 = arith.constant 0 : i32
      %dma_start3A_277 = arith.constant 0 : i32
      %dma_start3A_278 = tpu.memref_slice %arg2[%dma_start3A_276, %dma_start3A_277] : memref<10112x32xi32, #tpu.memory_space<hbm>> -> memref<10112x32xi32, #tpu.memory_space<hbm>>
      tpu.enqueue_indirect_dma source(%dma_start3A_278 : memref<10112x32xi32, #tpu.memory_space<hbm>>) target(%dma_start3A_272 : memref<128x32xi32, #tpu.memory_space<vmem>>) offsets(%dma_start3A_275 : memref<128xi32, #tpu.memory_space<vmem>>) semaphore(%arg18 : memref<!tpu.dma_semaphore, #tpu.memory_space<semaphore_mem>>)
      %mul3A_279 = arith.constant 80 : i32
      %mul3A_280 = arith.muli %add3A, %mul3A_279 : i32
      %mul3A_281 = arith.constant 2 : i32
      %mul3A_282 = arith.muli %mul3A_281, %min3A_252 : i32
      %add3A_283 = arith.addi %mul3A_280, %mul3A_282 : i32
      %mul3A_284 = arith.constant 128 : i32
      %mul3A_285 = arith.muli %add3A_283, %mul3A_284 : i32
      %dma_start3A_286 = arith.constant 0 : i32
      %dma_start3A_287 = tpu.memref_slice %arg5[%mul3A_285, %dma_start3A_286] : memref<327680x32xi32, #tpu.memory_space<hbm>> -> memref<256x32xi32, #tpu.memory_space<hbm>>
      %dma_start3A_288 = arith.constant 0 : i32
      %dma_start3A_289 = tpu.memref_slice %arg5[%mul3A_285, %dma_start3A_288] : memref<327680x32xi32, #tpu.memory_space<hbm>> -> memref<256x32xi32, #tpu.memory_space<hbm>>
      tpu.enqueue_dma source(%dma_start3A_289 : memref<256x32xi32, #tpu.memory_space<hbm>>) target(%arg13 : memref<256x32xi32, #tpu.memory_space<vmem>>) target_semaphore(%arg20 : memref<!tpu.dma_semaphore, #tpu.memory_space<semaphore_mem>>)
      %scan3A_290 = arith.constant 0 : i32
      %scan3A_291 = arith.constant 0 : i32
      %scan3A_292 = arith.constant 256 : i32
      %scan3A_293 = arith.addi %scan3A_291, %scan3A_292 : i32
      %scan3A_294 = arith.constant 2 : i32
      scf.for %scan3A_445 = %scan3A_291 to %scan3A_293 step %scan3A_294  : i32 {
        %get3A = arith.index_cast %scan3A_445 : i32 to index
        %get3A_446 = arith.constant 0 : index
        %get3A_447 = tpu.vector_load %arg10[%get3A, %get3A_446] {strides = array<i32>} : memref<256x32xi32, #tpu.memory_space<vmem>>, vector<16xi32>,
        %bitcast3A = vector.bitcast %get3A_447 : vector<16xi32> to vector<32xbf16>
        %get3A_448 = arith.index_cast %scan3A_445 : i32 to index
        %get3A_449 = arith.constant 0 : index
        %get3A_450 = tpu.vector_load %arg12[%get3A_448, %get3A_449] {strides = array<i32>} : memref<256x32xi32, #tpu.memory_space<vmem>>, vector<16xi32>,
        %bitcast3A_451 = vector.bitcast %get3A_450 : vector<16xi32> to vector<32xbf16>
        %add3A_452 = arith.addf %bitcast3A, %bitcast3A_451 : vector<32xbf16>
        %max3A = arith.constant 0.000000e+00 : bf16
        %max3A_453 = vector.broadcast %max3A : bf16 to vector<32xbf16>
        %max3A_454 = arith.maximumf %add3A_452, %max3A_453 : vector<32xbf16>
        %unpack3A = tpu.unpack_subelements %max3A_454, 0 {pack_format = #tpu.pack_format<interleaved>} : vector<32xbf16> -> vector<16xf32>
        %unpack3A_455 = tpu.unpack_subelements %max3A_454, 1 {pack_format = #tpu.pack_format<interleaved>} : vector<32xbf16> -> vector<16xf32>
        %swap3A_456 = arith.index_cast %scan3A_445 : i32 to index
        %swap3A_457 = arith.constant 0 : index
        %swap3A_458 = tpu.vector_load %arg14[%swap3A_456, %swap3A_457] {strides = array<i32>} : memref<256x64xf32, #tpu.memory_space<vmem>>, vector<16xf32>,
        tpu.vector_store %arg14[%swap3A_456, %swap3A_457], %unpack3A {strides = array<i32>} : memref<256x64xf32, #tpu.memory_space<vmem>>, vector<16xf32>,
        %swap3A_459 = arith.index_cast %scan3A_445 : i32 to index
        %swap3A_460 = arith.constant 16 : index
        %swap3A_461 = tpu.vector_load %arg14[%swap3A_459, %swap3A_460] {strides = array<i32>} : memref<256x64xf32, #tpu.memory_space<vmem>>, vector<16xf32>,
        tpu.vector_store %arg14[%swap3A_459, %swap3A_460], %unpack3A_455 {strides = array<i32>} : memref<256x64xf32, #tpu.memory_space<vmem>>, vector<16xf32>,
        %get3A_462 = arith.index_cast %scan3A_445 : i32 to index
        %get3A_463 = arith.constant 16 : index
        %get3A_464 = tpu.vector_load %arg10[%get3A_462, %get3A_463] {strides = array<i32>} : memref<256x32xi32, #tpu.memory_space<vmem>>, vector<16xi32>,
        %bitcast3A_465 = vector.bitcast %get3A_464 : vector<16xi32> to vector<32xbf16>
        %get3A_466 = arith.index_cast %scan3A_445 : i32 to index
        %get3A_467 = arith.constant 16 : index
        %get3A_468 = tpu.vector_load %arg12[%get3A_466, %get3A_467] {strides = array<i32>} : memref<256x32xi32, #tpu.memory_space<vmem>>, vector<16xi32>,
        %bitcast3A_469 = vector.bitcast %get3A_468 : vector<16xi32> to vector<32xbf16>
        %add3A_470 = arith.addf %bitcast3A_465, %bitcast3A_469 : vector<32xbf16>
        %max3A_471 = arith.constant 0.000000e+00 : bf16
        %max3A_472 = vector.broadcast %max3A_471 : bf16 to vector<32xbf16>
        %max3A_473 = arith.maximumf %add3A_470, %max3A_472 : vector<32xbf16>
        %unpack3A_474 = tpu.unpack_subelements %max3A_473, 0 {pack_format = #tpu.pack_format<interleaved>} : vector<32xbf16> -> vector<16xf32>
        %unpack3A_475 = tpu.unpack_subelements %max3A_473, 1 {pack_format = #tpu.pack_format<interleaved>} : vector<32xbf16> -> vector<16xf32>
        %swap3A_476 = arith.index_cast %scan3A_445 : i32 to index
        %swap3A_477 = arith.constant 32 : index
        %swap3A_478 = tpu.vector_load %arg14[%swap3A_476, %swap3A_477] {strides = array<i32>} : memref<256x64xf32, #tpu.memory_space<vmem>>, vector<16xf32>,
        tpu.vector_store %arg14[%swap3A_476, %swap3A_477], %unpack3A_474 {strides = array<i32>} : memref<256x64xf32, #tpu.memory_space<vmem>>, vector<16xf32>,
        %swap3A_479 = arith.index_cast %scan3A_445 : i32 to index
        %swap3A_480 = arith.constant 48 : index
        %swap3A_481 = tpu.vector_load %arg14[%swap3A_479, %swap3A_480] {strides = array<i32>} : memref<256x64xf32, #tpu.memory_space<vmem>>, vector<16xf32>,
        tpu.vector_store %arg14[%swap3A_479, %swap3A_480], %unpack3A_475 {strides = array<i32>} : memref<256x64xf32, #tpu.memory_space<vmem>>, vector<16xf32>,
        %scan3A_482 = arith.constant 1 : i32
        %scan3A_483 = arith.addi %scan3A_445, %scan3A_482 : i32
        %get3A_484 = arith.index_cast %scan3A_483 : i32 to index
        %get3A_485 = arith.constant 0 : index
        %get3A_486 = tpu.vector_load %arg10[%get3A_484, %get3A_485] {strides = array<i32>} : memref<256x32xi32, #tpu.memory_space<vmem>>, vector<16xi32>,
        %bitcast3A_487 = vector.bitcast %get3A_486 : vector<16xi32> to vector<32xbf16>
        %get3A_488 = arith.index_cast %scan3A_483 : i32 to index
        %get3A_489 = arith.constant 0 : index
        %get3A_490 = tpu.vector_load %arg12[%get3A_488, %get3A_489] {strides = array<i32>} : memref<256x32xi32, #tpu.memory_space<vmem>>, vector<16xi32>,
        %bitcast3A_491 = vector.bitcast %get3A_490 : vector<16xi32> to vector<32xbf16>
        %add3A_492 = arith.addf %bitcast3A_487, %bitcast3A_491 : vector<32xbf16>
        %max3A_493 = arith.constant 0.000000e+00 : bf16
        %max3A_494 = vector.broadcast %max3A_493 : bf16 to vector<32xbf16>
        %max3A_495 = arith.maximumf %add3A_492, %max3A_494 : vector<32xbf16>
        %unpack3A_496 = tpu.unpack_subelements %max3A_495, 0 {pack_format = #tpu.pack_format<interleaved>} : vector<32xbf16> -> vector<16xf32>
        %unpack3A_497 = tpu.unpack_subelements %max3A_495, 1 {pack_format = #tpu.pack_format<interleaved>} : vector<32xbf16> -> vector<16xf32>
        %swap3A_498 = arith.index_cast %scan3A_483 : i32 to index
        %swap3A_499 = arith.constant 0 : index
        %swap3A_500 = tpu.vector_load %arg14[%swap3A_498, %swap3A_499] {strides = array<i32>} : memref<256x64xf32, #tpu.memory_space<vmem>>, vector<16xf32>,
        tpu.vector_store %arg14[%swap3A_498, %swap3A_499], %unpack3A_496 {strides = array<i32>} : memref<256x64xf32, #tpu.memory_space<vmem>>, vector<16xf32>,
        %swap3A_501 = arith.index_cast %scan3A_483 : i32 to index
        %swap3A_502 = arith.constant 16 : index
        %swap3A_503 = tpu.vector_load %arg14[%swap3A_501, %swap3A_502] {strides = array<i32>} : memref<256x64xf32, #tpu.memory_space<vmem>>, vector<16xf32>,
        tpu.vector_store %arg14[%swap3A_501, %swap3A_502], %unpack3A_497 {strides = array<i32>} : memref<256x64xf32, #tpu.memory_space<vmem>>, vector<16xf32>,
        %get3A_504 = arith.index_cast %scan3A_483 : i32 to index
        %get3A_505 = arith.constant 16 : index
        %get3A_506 = tpu.vector_load %arg10[%get3A_504, %get3A_505] {strides = array<i32>} : memref<256x32xi32, #tpu.memory_space<vmem>>, vector<16xi32>,
        %bitcast3A_507 = vector.bitcast %get3A_506 : vector<16xi32> to vector<32xbf16>
        %get3A_508 = arith.index_cast %scan3A_483 : i32 to index
        %get3A_509 = arith.constant 16 : index
        %get3A_510 = tpu.vector_load %arg12[%get3A_508, %get3A_509] {strides = array<i32>} : memref<256x32xi32, #tpu.memory_space<vmem>>, vector<16xi32>,
        %bitcast3A_511 = vector.bitcast %get3A_510 : vector<16xi32> to vector<32xbf16>
        %add3A_512 = arith.addf %bitcast3A_507, %bitcast3A_511 : vector<32xbf16>
        %max3A_513 = arith.constant 0.000000e+00 : bf16
        %max3A_514 = vector.broadcast %max3A_513 : bf16 to vector<32xbf16>
        %max3A_515 = arith.maximumf %add3A_512, %max3A_514 : vector<32xbf16>
        %unpack3A_516 = tpu.unpack_subelements %max3A_515, 0 {pack_format = #tpu.pack_format<interleaved>} : vector<32xbf16> -> vector<16xf32>
        %unpack3A_517 = tpu.unpack_subelements %max3A_515, 1 {pack_format = #tpu.pack_format<interleaved>} : vector<32xbf16> -> vector<16xf32>
        %swap3A_518 = arith.index_cast %scan3A_483 : i32 to index
        %swap3A_519 = arith.constant 32 : index
        %swap3A_520 = tpu.vector_load %arg14[%swap3A_518, %swap3A_519] {strides = array<i32>} : memref<256x64xf32, #tpu.memory_space<vmem>>, vector<16xf32>,
        tpu.vector_store %arg14[%swap3A_518, %swap3A_519], %unpack3A_516 {strides = array<i32>} : memref<256x64xf32, #tpu.memory_space<vmem>>, vector<16xf32>,
        %swap3A_521 = arith.index_cast %scan3A_483 : i32 to index
        %swap3A_522 = arith.constant 48 : index
        %swap3A_523 = tpu.vector_load %arg14[%swap3A_521, %swap3A_522] {strides = array<i32>} : memref<256x64xf32, #tpu.memory_space<vmem>>, vector<16xf32>,
        tpu.vector_store %arg14[%swap3A_521, %swap3A_522], %unpack3A_517 {strides = array<i32>} : memref<256x64xf32, #tpu.memory_space<vmem>>, vector<16xf32>,
      }
      %scan3A_295 = arith.constant 256 : i32
      %mul3A_296 = arith.constant 2 : i32
      %mul3A_297 = arith.muli %mul3A_296, %add3A_203 : i32
      %add3A_298 = arith.constant 0 : i32
      %add3A_299 = arith.addi %mul3A_297, %add3A_298 : i32
      %dma_start3A_300 = arith.constant 0 : i32
      %dma_start3A_301 = arith.constant 0 : i32
      %dma_start3A_302 = tpu.memref_slice %arg14[%dma_start3A_300, %dma_start3A_301] : memref<256x64xf32, #tpu.memory_space<vmem>> -> memref<128x64xf32, #tpu.memory_space<vmem>>
      %dma_start3A_303 = arith.constant 0 : i32
      %dma_start3A_304 = tpu.memref_slice %arg8[%add3A_299, %dma_start3A_303] : memref<80x128xi32, #tpu.memory_space<vmem>> -> memref<1x128xi32, #tpu.memory_space<vmem>>
      %dma_start3A_305 = tpu.memref_squeeze %dma_start3A_304 : memref<1x128xi32, #tpu.memory_space<vmem>> -> memref<128xi32, #tpu.memory_space<vmem>>
      %dma_start3A_306 = arith.constant 0 : i32
      %dma_start3A_307 = arith.constant 0 : i32
      %dma_start3A_308 = tpu.memref_slice %arg16[%dma_start3A_306, %dma_start3A_307] : memref<10112x64xf32, #tpu.memory_space<vmem_shared>> -> memref<10112x64xf32, #tpu.memory_space<vmem_shared>>
      tpu.enqueue_indirect_dma source(%dma_start3A_302 : memref<128x64xf32, #tpu.memory_space<vmem>>) target(%dma_start3A_308 : memref<10112x64xf32, #tpu.memory_space<vmem_shared>>) offsets(%dma_start3A_305 : memref<128xi32, #tpu.memory_space<vmem>>) semaphore(%arg21 : memref<!tpu.dma_semaphore, #tpu.memory_space<semaphore_mem>>) {add = true}
      %mul3A_309 = arith.constant 2 : i32
      %mul3A_310 = arith.muli %mul3A_309, %add3A_203 : i32
      %add3A_311 = arith.constant 1 : i32
      %add3A_312 = arith.addi %mul3A_310, %add3A_311 : i32
      %dma_start3A_313 = arith.constant 128 : i32
      %dma_start3A_314 = arith.constant 0 : i32
      %dma_start3A_315 = tpu.memref_slice %arg14[%dma_start3A_313, %dma_start3A_314] : memref<256x64xf32, #tpu.memory_space<vmem>> -> memref<128x64xf32, #tpu.memory_space<vmem>>
      %dma_start3A_316 = arith.constant 0 : i32
      %dma_start3A_317 = tpu.memref_slice %arg8[%add3A_312, %dma_start3A_316] : memref<80x128xi32, #tpu.memory_space<vmem>> -> memref<1x128xi32, #tpu.memory_space<vmem>>
      %dma_start3A_318 = tpu.memref_squeeze %dma_start3A_317 : memref<1x128xi32, #tpu.memory_space<vmem>> -> memref<128xi32, #tpu.memory_space<vmem>>
      %dma_start3A_319 = arith.constant 0 : i32
      %dma_start3A_320 = arith.constant 0 : i32
      %dma_start3A_321 = tpu.memref_slice %arg16[%dma_start3A_319, %dma_start3A_320] : memref<10112x64xf32, #tpu.memory_space<vmem_shared>> -> memref<10112x64xf32, #tpu.memory_space<vmem_shared>>
      tpu.enqueue_indirect_dma source(%dma_start3A_315 : memref<128x64xf32, #tpu.memory_space<vmem>>) target(%dma_start3A_321 : memref<10112x64xf32, #tpu.memory_space<vmem_shared>>) offsets(%dma_start3A_318 : memref<128xi32, #tpu.memory_space<vmem>>) semaphore(%arg21 : memref<!tpu.dma_semaphore, #tpu.memory_space<semaphore_mem>>) {add = true}
      %mul3A_322 = arith.constant 2 : i32
      %mul3A_323 = arith.muli %mul3A_322, %scan3A_199 : i32
      %add3A_324 = arith.constant 1 : i32
      %add3A_325 = arith.addi %mul3A_323, %add3A_324 : i32
      %dma_wait3A_326 = arith.constant 0 : i32
      %dma_wait3A_327 = arith.constant 0 : i32
      %dma_wait3A_328 = arith.constant 0 : i32
      %dma_wait3A_329 = tpu.memref_slice %arg11[%dma_wait3A_327, %dma_wait3A_328] : memref<256x32xi32, #tpu.memory_space<vmem>> -> memref<128x32xi32, #tpu.memory_space<vmem>>
      %dma_wait3A_330 = arith.constant 0 : i32
      %dma_wait3A_331 = tpu.memref_slice %arg7[%dma_wait3A_326, %dma_wait3A_330] : memref<80x128xi32, #tpu.memory_space<vmem>> -> memref<1x128xi32, #tpu.memory_space<vmem>>
      %dma_wait3A_332 = tpu.memref_squeeze %dma_wait3A_331 : memref<1x128xi32, #tpu.memory_space<vmem>> -> memref<128xi32, #tpu.memory_space<vmem>>
      %dma_wait3A_333 = arith.constant 0 : i32
      %dma_wait3A_334 = arith.constant 0 : i32
      %dma_wait3A_335 = tpu.memref_slice %arg2[%dma_wait3A_333, %dma_wait3A_334] : memref<10112x32xi32, #tpu.memory_space<hbm>> -> memref<10112x32xi32, #tpu.memory_space<hbm>>
      tpu.wait_indirect_dma semaphore(%arg18 : memref<!tpu.dma_semaphore, #tpu.memory_space<semaphore_mem>>) src(%dma_wait3A_335 : memref<10112x32xi32, #tpu.memory_space<hbm>>) dst(%dma_wait3A_329 : memref<128x32xi32, #tpu.memory_space<vmem>>)
      %dma_wait3A_336 = arith.constant 1 : i32
      %dma_wait3A_337 = arith.constant 128 : i32
      %dma_wait3A_338 = arith.constant 0 : i32
      %dma_wait3A_339 = tpu.memref_slice %arg11[%dma_wait3A_337, %dma_wait3A_338] : memref<256x32xi32, #tpu.memory_space<vmem>> -> memref<128x32xi32, #tpu.memory_space<vmem>>
      %dma_wait3A_340 = arith.constant 0 : i32
      %dma_wait3A_341 = tpu.memref_slice %arg7[%dma_wait3A_336, %dma_wait3A_340] : memref<80x128xi32, #tpu.memory_space<vmem>> -> memref<1x128xi32, #tpu.memory_space<vmem>>
      %dma_wait3A_342 = tpu.memref_squeeze %dma_wait3A_341 : memref<1x128xi32, #tpu.memory_space<vmem>> -> memref<128xi32, #tpu.memory_space<vmem>>
      %dma_wait3A_343 = arith.constant 0 : i32
      %dma_wait3A_344 = arith.constant 0 : i32
      %dma_wait3A_345 = tpu.memref_slice %arg2[%dma_wait3A_343, %dma_wait3A_344] : memref<10112x32xi32, #tpu.memory_space<hbm>> -> memref<10112x32xi32, #tpu.memory_space<hbm>>
      tpu.wait_indirect_dma semaphore(%arg18 : memref<!tpu.dma_semaphore, #tpu.memory_space<semaphore_mem>>) src(%dma_wait3A_345 : memref<10112x32xi32, #tpu.memory_space<hbm>>) dst(%dma_wait3A_339 : memref<128x32xi32, #tpu.memory_space<vmem>>)
      %dma_wait3A_346 = arith.constant 0 : i32
      %dma_wait3A_347 = arith.constant 0 : i32
      %dma_wait3A_348 = tpu.memref_slice %arg5[%dma_wait3A_346, %dma_wait3A_347] : memref<327680x32xi32, #tpu.memory_space<hbm>> -> memref<256x32xi32, #tpu.memory_space<hbm>>
      %dma_wait3A_349 = arith.constant 0 : i32
      %dma_wait3A_350 = arith.constant 0 : i32
      %dma_wait3A_351 = tpu.memref_slice %arg5[%dma_wait3A_349, %dma_wait3A_350] : memref<327680x32xi32, #tpu.memory_space<hbm>> -> memref<256x32xi32, #tpu.memory_space<hbm>>
      tpu.wait_dma2 semaphore(%arg20 : memref<!tpu.dma_semaphore, #tpu.memory_space<semaphore_mem>>) src(%dma_wait3A_351 : memref<256x32xi32, #tpu.memory_space<hbm>>) dst(%arg13 : memref<256x32xi32, #tpu.memory_space<vmem>>)
      %dma_wait3A_352 = arith.constant 0 : i32
      %dma_wait3A_353 = arith.constant 0 : i32
      %dma_wait3A_354 = arith.constant 0 : i32
      %dma_wait3A_355 = tpu.memref_slice %arg14[%dma_wait3A_353, %dma_wait3A_354] : memref<256x64xf32, #tpu.memory_space<vmem>> -> memref<128x64xf32, #tpu.memory_space<vmem>>
      %dma_wait3A_356 = arith.constant 0 : i32
      %dma_wait3A_357 = tpu.memref_slice %arg9[%dma_wait3A_352, %dma_wait3A_356] : memref<1x128xi32, #tpu.memory_space<vmem>> -> memref<1x128xi32, #tpu.memory_space<vmem>>
      %dma_wait3A_358 = tpu.memref_squeeze %dma_wait3A_357 : memref<1x128xi32, #tpu.memory_space<vmem>> -> memref<128xi32, #tpu.memory_space<vmem>>
      %dma_wait3A_359 = arith.constant 0 : i32
      %dma_wait3A_360 = arith.constant 0 : i32
      %dma_wait3A_361 = tpu.memref_slice %arg16[%dma_wait3A_359, %dma_wait3A_360] : memref<10112x64xf32, #tpu.memory_space<vmem_shared>> -> memref<10112x64xf32, #tpu.memory_space<vmem_shared>>
      tpu.wait_indirect_dma semaphore(%arg21 : memref<!tpu.dma_semaphore, #tpu.memory_space<semaphore_mem>>) src(%dma_wait3A_355 : memref<128x64xf32, #tpu.memory_space<vmem>>) dst(%dma_wait3A_361 : memref<10112x64xf32, #tpu.memory_space<vmem_shared>>)
      %dma_wait3A_362 = arith.constant 0 : i32
      %dma_wait3A_363 = arith.constant 128 : i32
      %dma_wait3A_364 = arith.constant 0 : i32
      %dma_wait3A_365 = tpu.memref_slice %arg14[%dma_wait3A_363, %dma_wait3A_364] : memref<256x64xf32, #tpu.memory_space<vmem>> -> memref<128x64xf32, #tpu.memory_space<vmem>>
      %dma_wait3A_366 = arith.constant 0 : i32
      %dma_wait3A_367 = tpu.memref_slice %arg9[%dma_wait3A_362, %dma_wait3A_366] : memref<1x128xi32, #tpu.memory_space<vmem>> -> memref<1x128xi32, #tpu.memory_space<vmem>>
      %dma_wait3A_368 = tpu.memref_squeeze %dma_wait3A_367 : memref<1x128xi32, #tpu.memory_space<vmem>> -> memref<128xi32, #tpu.memory_space<vmem>>
      %dma_wait3A_369 = arith.constant 0 : i32
      %dma_wait3A_370 = arith.constant 0 : i32
      %dma_wait3A_371 = tpu.memref_slice %arg16[%dma_wait3A_369, %dma_wait3A_370] : memref<10112x64xf32, #tpu.memory_space<vmem_shared>> -> memref<10112x64xf32, #tpu.memory_space<vmem_shared>>
      tpu.wait_indirect_dma semaphore(%arg21 : memref<!tpu.dma_semaphore, #tpu.memory_space<semaphore_mem>>) src(%dma_wait3A_365 : memref<128x64xf32, #tpu.memory_space<vmem>>) dst(%dma_wait3A_371 : memref<10112x64xf32, #tpu.memory_space<vmem_shared>>)
      %add3A_372 = arith.constant 1 : i32
      %add3A_373 = arith.addi %add3A_325, %add3A_372 : i32
      %min3A_374 = arith.constant 39 : i32
      %min3A_375 = arith.minsi %add3A_373, %min3A_374 : i32
      %mul3A_376 = arith.constant 2 : i32
      %mul3A_377 = arith.muli %mul3A_376, %min3A_375 : i32
      %add3A_378 = arith.constant 0 : i32
      %add3A_379 = arith.addi %mul3A_377, %add3A_378 : i32
      %dma_start3A_380 = arith.constant 0 : i32
      %dma_start3A_381 = arith.constant 0 : i32
      %dma_start3A_382 = tpu.memref_slice %arg10[%dma_start3A_380, %dma_start3A_381] : memref<256x32xi32, #tpu.memory_space<vmem>> -> memref<128x32xi32, #tpu.memory_space<vmem>>
      %dma_start3A_383 = arith.constant 0 : i32
      %dma_start3A_384 = tpu.memref_slice %arg7[%add3A_379, %dma_start3A_383] : memref<80x128xi32, #tpu.memory_space<vmem>> -> memref<1x128xi32, #tpu.memory_space<vmem>>
      %dma_start3A_385 = tpu.memref_squeeze %dma_start3A_384 : memref<1x128xi32, #tpu.memory_space<vmem>> -> memref<128xi32, #tpu.memory_space<vmem>>
      %dma_start3A_386 = arith.constant 0 : i32
      %dma_start3A_387 = arith.constant 0 : i32
      %dma_start3A_388 = tpu.memref_slice %arg2[%dma_start3A_386, %dma_start3A_387] : memref<10112x32xi32, #tpu.memory_space<hbm>> -> memref<10112x32xi32, #tpu.memory_space<hbm>>
      tpu.enqueue_indirect_dma source(%dma_start3A_388 : memref<10112x32xi32, #tpu.memory_space<hbm>>) target(%dma_start3A_382 : memref<128x32xi32, #tpu.memory_space<vmem>>) offsets(%dma_start3A_385 : memref<128xi32, #tpu.memory_space<vmem>>) semaphore(%arg17 : memref<!tpu.dma_semaphore, #tpu.memory_space<semaphore_mem>>)
      %mul3A_389 = arith.constant 2 : i32
      %mul3A_390 = arith.muli %mul3A_389, %min3A_375 : i32
      %add3A_391 = arith.constant 1 : i32
      %add3A_392 = arith.addi %mul3A_390, %add3A_391 : i32
      %dma_start3A_393 = arith.constant 128 : i32
      %dma_start3A_394 = arith.constant 0 : i32
      %dma_start3A_395 = tpu.memref_slice %arg10[%dma_start3A_393, %dma_start3A_394] : memref<256x32xi32, #tpu.memory_space<vmem>> -> memref<128x32xi32, #tpu.memory_space<vmem>>
      %dma_start3A_396 = arith.constant 0 : i32
      %dma_start3A_397 = tpu.memref_slice %arg7[%add3A_392, %dma_start3A_396] : memref<80x128xi32, #tpu.memory_space<vmem>> -> memref<1x128xi32, #tpu.memory_space<vmem>>
      %dma_start3A_398 = tpu.memref_squeeze %dma_start3A_397 : memref<1x128xi32, #tpu.memory_space<vmem>> -> memref<128xi32, #tpu.memory_space<vmem>>
      %dma_start3A_399 = arith.constant 0 : i32
      %dma_start3A_400 = arith.constant 0 : i32
      %dma_start3A_401 = tpu.memref_slice %arg2[%dma_start3A_399, %dma_start3A_400] : memref<10112x32xi32, #tpu.memory_space<hbm>> -> memref<10112x32xi32, #tpu.memory_space<hbm>>
      tpu.enqueue_indirect_dma source(%dma_start3A_401 : memref<10112x32xi32, #tpu.memory_space<hbm>>) target(%dma_start3A_395 : memref<128x32xi32, #tpu.memory_space<vmem>>) offsets(%dma_start3A_398 : memref<128xi32, #tpu.memory_space<vmem>>) semaphore(%arg17 : memref<!tpu.dma_semaphore, #tpu.memory_space<semaphore_mem>>)
      %mul3A_402 = arith.constant 80 : i32
      %mul3A_403 = arith.muli %add3A, %mul3A_402 : i32
      %mul3A_404 = arith.constant 2 : i32
      %mul3A_405 = arith.muli %mul3A_404, %min3A_375 : i32
      %add3A_406 = arith.addi %mul3A_403, %mul3A_405 : i32
      %mul3A_407 = arith.constant 128 : i32
      %mul3A_408 = arith.muli %add3A_406, %mul3A_407 : i32
      %dma_start3A_409 = arith.constant 0 : i32
      %dma_start3A_410 = tpu.memref_slice %arg5[%mul3A_408, %dma_start3A_409] : memref<327680x32xi32, #tpu.memory_space<hbm>> -> memref<256x32xi32, #tpu.memory_space<hbm>>
      %dma_start3A_411 = arith.constant 0 : i32
      %dma_start3A_412 = tpu.memref_slice %arg5[%mul3A_408, %dma_start3A_411] : memref<327680x32xi32, #tpu.memory_space<hbm>> -> memref<256x32xi32, #tpu.memory_space<hbm>>
      tpu.enqueue_dma source(%dma_start3A_412 : memref<256x32xi32, #tpu.memory_space<hbm>>) target(%arg12 : memref<256x32xi32, #tpu.memory_space<vmem>>) target_semaphore(%arg19 : memref<!tpu.dma_semaphore, #tpu.memory_space<semaphore_mem>>)
      %scan3A_413 = arith.constant 0 : i32
      %scan3A_414 = arith.constant 0 : i32
      %scan3A_415 = arith.constant 256 : i32
      %scan3A_416 = arith.addi %scan3A_414, %scan3A_415 : i32
      %scan3A_417 = arith.constant 2 : i32
      scf.for %scan3A_445 = %scan3A_414 to %scan3A_416 step %scan3A_417  : i32 {
        %get3A = arith.index_cast %scan3A_445 : i32 to index
        %get3A_446 = arith.constant 0 : index
        %get3A_447 = tpu.vector_load %arg11[%get3A, %get3A_446] {strides = array<i32>} : memref<256x32xi32, #tpu.memory_space<vmem>>, vector<16xi32>,
        %bitcast3A = vector.bitcast %get3A_447 : vector<16xi32> to vector<32xbf16>
        %get3A_448 = arith.index_cast %scan3A_445 : i32 to index
        %get3A_449 = arith.constant 0 : index
        %get3A_450 = tpu.vector_load %arg13[%get3A_448, %get3A_449] {strides = array<i32>} : memref<256x32xi32, #tpu.memory_space<vmem>>, vector<16xi32>,
        %bitcast3A_451 = vector.bitcast %get3A_450 : vector<16xi32> to vector<32xbf16>
        %add3A_452 = arith.addf %bitcast3A, %bitcast3A_451 : vector<32xbf16>
        %max3A = arith.constant 0.000000e+00 : bf16
        %max3A_453 = vector.broadcast %max3A : bf16 to vector<32xbf16>
        %max3A_454 = arith.maximumf %add3A_452, %max3A_453 : vector<32xbf16>
        %unpack3A = tpu.unpack_subelements %max3A_454, 0 {pack_format = #tpu.pack_format<interleaved>} : vector<32xbf16> -> vector<16xf32>
        %unpack3A_455 = tpu.unpack_subelements %max3A_454, 1 {pack_format = #tpu.pack_format<interleaved>} : vector<32xbf16> -> vector<16xf32>
        %swap3A_456 = arith.index_cast %scan3A_445 : i32 to index
        %swap3A_457 = arith.constant 0 : index
        %swap3A_458 = tpu.vector_load %arg15[%swap3A_456, %swap3A_457] {strides = array<i32>} : memref<256x64xf32, #tpu.memory_space<vmem>>, vector<16xf32>,
        tpu.vector_store %arg15[%swap3A_456, %swap3A_457], %unpack3A {strides = array<i32>} : memref<256x64xf32, #tpu.memory_space<vmem>>, vector<16xf32>,
        %swap3A_459 = arith.index_cast %scan3A_445 : i32 to index
        %swap3A_460 = arith.constant 16 : index
        %swap3A_461 = tpu.vector_load %arg15[%swap3A_459, %swap3A_460] {strides = array<i32>} : memref<256x64xf32, #tpu.memory_space<vmem>>, vector<16xf32>,
        tpu.vector_store %arg15[%swap3A_459, %swap3A_460], %unpack3A_455 {strides = array<i32>} : memref<256x64xf32, #tpu.memory_space<vmem>>, vector<16xf32>,
        %get3A_462 = arith.index_cast %scan3A_445 : i32 to index
        %get3A_463 = arith.constant 16 : index
        %get3A_464 = tpu.vector_load %arg11[%get3A_462, %get3A_463] {strides = array<i32>} : memref<256x32xi32, #tpu.memory_space<vmem>>, vector<16xi32>,
        %bitcast3A_465 = vector.bitcast %get3A_464 : vector<16xi32> to vector<32xbf16>
        %get3A_466 = arith.index_cast %scan3A_445 : i32 to index
        %get3A_467 = arith.constant 16 : index
        %get3A_468 = tpu.vector_load %arg13[%get3A_466, %get3A_467] {strides = array<i32>} : memref<256x32xi32, #tpu.memory_space<vmem>>, vector<16xi32>,
        %bitcast3A_469 = vector.bitcast %get3A_468 : vector<16xi32> to vector<32xbf16>
        %add3A_470 = arith.addf %bitcast3A_465, %bitcast3A_469 : vector<32xbf16>
        %max3A_471 = arith.constant 0.000000e+00 : bf16
        %max3A_472 = vector.broadcast %max3A_471 : bf16 to vector<32xbf16>
        %max3A_473 = arith.maximumf %add3A_470, %max3A_472 : vector<32xbf16>
        %unpack3A_474 = tpu.unpack_subelements %max3A_473, 0 {pack_format = #tpu.pack_format<interleaved>} : vector<32xbf16> -> vector<16xf32>
        %unpack3A_475 = tpu.unpack_subelements %max3A_473, 1 {pack_format = #tpu.pack_format<interleaved>} : vector<32xbf16> -> vector<16xf32>
        %swap3A_476 = arith.index_cast %scan3A_445 : i32 to index
        %swap3A_477 = arith.constant 32 : index
        %swap3A_478 = tpu.vector_load %arg15[%swap3A_476, %swap3A_477] {strides = array<i32>} : memref<256x64xf32, #tpu.memory_space<vmem>>, vector<16xf32>,
        tpu.vector_store %arg15[%swap3A_476, %swap3A_477], %unpack3A_474 {strides = array<i32>} : memref<256x64xf32, #tpu.memory_space<vmem>>, vector<16xf32>,
        %swap3A_479 = arith.index_cast %scan3A_445 : i32 to index
        %swap3A_480 = arith.constant 48 : index
        %swap3A_481 = tpu.vector_load %arg15[%swap3A_479, %swap3A_480] {strides = array<i32>} : memref<256x64xf32, #tpu.memory_space<vmem>>, vector<16xf32>,
        tpu.vector_store %arg15[%swap3A_479, %swap3A_480], %unpack3A_475 {strides = array<i32>} : memref<256x64xf32, #tpu.memory_space<vmem>>, vector<16xf32>,
        %scan3A_482 = arith.constant 1 : i32
        %scan3A_483 = arith.addi %scan3A_445, %scan3A_482 : i32
        %get3A_484 = arith.index_cast %scan3A_483 : i32 to index
        %get3A_485 = arith.constant 0 : index
        %get3A_486 = tpu.vector_load %arg11[%get3A_484, %get3A_485] {strides = array<i32>} : memref<256x32xi32, #tpu.memory_space<vmem>>, vector<16xi32>,
        %bitcast3A_487 = vector.bitcast %get3A_486 : vector<16xi32> to vector<32xbf16>
        %get3A_488 = arith.index_cast %scan3A_483 : i32 to index
        %get3A_489 = arith.constant 0 : index
        %get3A_490 = tpu.vector_load %arg13[%get3A_488, %get3A_489] {strides = array<i32>} : memref<256x32xi32, #tpu.memory_space<vmem>>, vector<16xi32>,
        %bitcast3A_491 = vector.bitcast %get3A_490 : vector<16xi32> to vector<32xbf16>
        %add3A_492 = arith.addf %bitcast3A_487, %bitcast3A_491 : vector<32xbf16>
        %max3A_493 = arith.constant 0.000000e+00 : bf16
        %max3A_494 = vector.broadcast %max3A_493 : bf16 to vector<32xbf16>
        %max3A_495 = arith.maximumf %add3A_492, %max3A_494 : vector<32xbf16>
        %unpack3A_496 = tpu.unpack_subelements %max3A_495, 0 {pack_format = #tpu.pack_format<interleaved>} : vector<32xbf16> -> vector<16xf32>
        %unpack3A_497 = tpu.unpack_subelements %max3A_495, 1 {pack_format = #tpu.pack_format<interleaved>} : vector<32xbf16> -> vector<16xf32>
        %swap3A_498 = arith.index_cast %scan3A_483 : i32 to index
        %swap3A_499 = arith.constant 0 : index
        %swap3A_500 = tpu.vector_load %arg15[%swap3A_498, %swap3A_499] {strides = array<i32>} : memref<256x64xf32, #tpu.memory_space<vmem>>, vector<16xf32>,
        tpu.vector_store %arg15[%swap3A_498, %swap3A_499], %unpack3A_496 {strides = array<i32>} : memref<256x64xf32, #tpu.memory_space<vmem>>, vector<16xf32>,
        %swap3A_501 = arith.index_cast %scan3A_483 : i32 to index
        %swap3A_502 = arith.constant 16 : index
        %swap3A_503 = tpu.vector_load %arg15[%swap3A_501, %swap3A_502] {strides = array<i32>} : memref<256x64xf32, #tpu.memory_space<vmem>>, vector<16xf32>,
        tpu.vector_store %arg15[%swap3A_501, %swap3A_502], %unpack3A_497 {strides = array<i32>} : memref<256x64xf32, #tpu.memory_space<vmem>>, vector<16xf32>,
        %get3A_504 = arith.index_cast %scan3A_483 : i32 to index
        %get3A_505 = arith.constant 16 : index
        %get3A_506 = tpu.vector_load %arg11[%get3A_504, %get3A_505] {strides = array<i32>} : memref<256x32xi32, #tpu.memory_space<vmem>>, vector<16xi32>,
        %bitcast3A_507 = vector.bitcast %get3A_506 : vector<16xi32> to vector<32xbf16>
        %get3A_508 = arith.index_cast %scan3A_483 : i32 to index
        %get3A_509 = arith.constant 16 : index
        %get3A_510 = tpu.vector_load %arg13[%get3A_508, %get3A_509] {strides = array<i32>} : memref<256x32xi32, #tpu.memory_space<vmem>>, vector<16xi32>,
        %bitcast3A_511 = vector.bitcast %get3A_510 : vector<16xi32> to vector<32xbf16>
        %add3A_512 = arith.addf %bitcast3A_507, %bitcast3A_511 : vector<32xbf16>
        %max3A_513 = arith.constant 0.000000e+00 : bf16
        %max3A_514 = vector.broadcast %max3A_513 : bf16 to vector<32xbf16>
        %max3A_515 = arith.maximumf %add3A_512, %max3A_514 : vector<32xbf16>
        %unpack3A_516 = tpu.unpack_subelements %max3A_515, 0 {pack_format = #tpu.pack_format<interleaved>} : vector<32xbf16> -> vector<16xf32>
        %unpack3A_517 = tpu.unpack_subelements %max3A_515, 1 {pack_format = #tpu.pack_format<interleaved>} : vector<32xbf16> -> vector<16xf32>
        %swap3A_518 = arith.index_cast %scan3A_483 : i32 to index
        %swap3A_519 = arith.constant 32 : index
        %swap3A_520 = tpu.vector_load %arg15[%swap3A_518, %swap3A_519] {strides = array<i32>} : memref<256x64xf32, #tpu.memory_space<vmem>>, vector<16xf32>,
        tpu.vector_store %arg15[%swap3A_518, %swap3A_519], %unpack3A_516 {strides = array<i32>} : memref<256x64xf32, #tpu.memory_space<vmem>>, vector<16xf32>,
        %swap3A_521 = arith.index_cast %scan3A_483 : i32 to index
        %swap3A_522 = arith.constant 48 : index
        %swap3A_523 = tpu.vector_load %arg15[%swap3A_521, %swap3A_522] {strides = array<i32>} : memref<256x64xf32, #tpu.memory_space<vmem>>, vector<16xf32>,
        tpu.vector_store %arg15[%swap3A_521, %swap3A_522], %unpack3A_517 {strides = array<i32>} : memref<256x64xf32, #tpu.memory_space<vmem>>, vector<16xf32>,
      }
      %scan3A_418 = arith.constant 256 : i32
      %mul3A_419 = arith.constant 2 : i32
      %mul3A_420 = arith.muli %mul3A_419, %add3A_325 : i32
      %add3A_421 = arith.constant 0 : i32
      %add3A_422 = arith.addi %mul3A_420, %add3A_421 : i32
      %dma_start3A_423 = arith.constant 0 : i32
      %dma_start3A_424 = arith.constant 0 : i32
      %dma_start3A_425 = tpu.memref_slice %arg15[%dma_start3A_423, %dma_start3A_424] : memref<256x64xf32, #tpu.memory_space<vmem>> -> memref<128x64xf32, #tpu.memory_space<vmem>>
      %dma_start3A_426 = arith.constant 0 : i32
      %dma_start3A_427 = tpu.memref_slice %arg8[%add3A_422, %dma_start3A_426] : memref<80x128xi32, #tpu.memory_space<vmem>> -> memref<1x128xi32, #tpu.memory_space<vmem>>
      %dma_start3A_428 = tpu.memref_squeeze %dma_start3A_427 : memref<1x128xi32, #tpu.memory_space<vmem>> -> memref<128xi32, #tpu.memory_space<vmem>>
      %dma_start3A_429 = arith.constant 0 : i32
      %dma_start3A_430 = arith.constant 0 : i32
      %dma_start3A_431 = tpu.memref_slice %arg16[%dma_start3A_429, %dma_start3A_430] : memref<10112x64xf32, #tpu.memory_space<vmem_shared>> -> memref<10112x64xf32, #tpu.memory_space<vmem_shared>>
      tpu.enqueue_indirect_dma source(%dma_start3A_425 : memref<128x64xf32, #tpu.memory_space<vmem>>) target(%dma_start3A_431 : memref<10112x64xf32, #tpu.memory_space<vmem_shared>>) offsets(%dma_start3A_428 : memref<128xi32, #tpu.memory_space<vmem>>) semaphore(%arg21 : memref<!tpu.dma_semaphore, #tpu.memory_space<semaphore_mem>>) {add = true}
      %mul3A_432 = arith.constant 2 : i32
      %mul3A_433 = arith.muli %mul3A_432, %add3A_325 : i32
      %add3A_434 = arith.constant 1 : i32
      %add3A_435 = arith.addi %mul3A_433, %add3A_434 : i32
      %dma_start3A_436 = arith.constant 128 : i32
      %dma_start3A_437 = arith.constant 0 : i32
      %dma_start3A_438 = tpu.memref_slice %arg15[%dma_start3A_436, %dma_start3A_437] : memref<256x64xf32, #tpu.memory_space<vmem>> -> memref<128x64xf32, #tpu.memory_space<vmem>>
      %dma_start3A_439 = arith.constant 0 : i32
      %dma_start3A_440 = tpu.memref_slice %arg8[%add3A_435, %dma_start3A_439] : memref<80x128xi32, #tpu.memory_space<vmem>> -> memref<1x128xi32, #tpu.memory_space<vmem>>
      %dma_start3A_441 = tpu.memref_squeeze %dma_start3A_440 : memref<1x128xi32, #tpu.memory_space<vmem>> -> memref<128xi32, #tpu.memory_space<vmem>>
      %dma_start3A_442 = arith.constant 0 : i32
      %dma_start3A_443 = arith.constant 0 : i32
      %dma_start3A_444 = tpu.memref_slice %arg16[%dma_start3A_442, %dma_start3A_443] : memref<10112x64xf32, #tpu.memory_space<vmem_shared>> -> memref<10112x64xf32, #tpu.memory_space<vmem_shared>>
      tpu.enqueue_indirect_dma source(%dma_start3A_438 : memref<128x64xf32, #tpu.memory_space<vmem>>) target(%dma_start3A_444 : memref<10112x64xf32, #tpu.memory_space<vmem_shared>>) offsets(%dma_start3A_441 : memref<128xi32, #tpu.memory_space<vmem>>) semaphore(%arg21 : memref<!tpu.dma_semaphore, #tpu.memory_space<semaphore_mem>>) {add = true}
    }
    %scan3A_132 = arith.constant 20 : i32
    %dma_wait3A = arith.constant 0 : i32
    %dma_wait3A_133 = arith.constant 0 : i32
    %dma_wait3A_134 = arith.constant 0 : i32
    %dma_wait3A_135 = tpu.memref_slice %arg10[%dma_wait3A_133, %dma_wait3A_134] : memref<256x32xi32, #tpu.memory_space<vmem>> -> memref<128x32xi32, #tpu.memory_space<vmem>>
    %dma_wait3A_136 = arith.constant 0 : i32
    %dma_wait3A_137 = tpu.memref_slice %arg7[%dma_wait3A, %dma_wait3A_136] : memref<80x128xi32, #tpu.memory_space<vmem>> -> memref<1x128xi32, #tpu.memory_space<vmem>>
    %dma_wait3A_138 = tpu.memref_squeeze %dma_wait3A_137 : memref<1x128xi32, #tpu.memory_space<vmem>> -> memref<128xi32, #tpu.memory_space<vmem>>
    %dma_wait3A_139 = arith.constant 0 : i32
    %dma_wait3A_140 = arith.constant 0 : i32
    %dma_wait3A_141 = tpu.memref_slice %arg2[%dma_wait3A_139, %dma_wait3A_140] : memref<10112x32xi32, #tpu.memory_space<hbm>> -> memref<10112x32xi32, #tpu.memory_space<hbm>>
    tpu.wait_indirect_dma semaphore(%arg17 : memref<!tpu.dma_semaphore, #tpu.memory_space<semaphore_mem>>) src(%dma_wait3A_141 : memref<10112x32xi32, #tpu.memory_space<hbm>>) dst(%dma_wait3A_135 : memref<128x32xi32, #tpu.memory_space<vmem>>)
    %dma_wait3A_142 = arith.constant 1 : i32
    %dma_wait3A_143 = arith.constant 128 : i32
    %dma_wait3A_144 = arith.constant 0 : i32
    %dma_wait3A_145 = tpu.memref_slice %arg10[%dma_wait3A_143, %dma_wait3A_144] : memref<256x32xi32, #tpu.memory_space<vmem>> -> memref<128x32xi32, #tpu.memory_space<vmem>>
    %dma_wait3A_146 = arith.constant 0 : i32
    %dma_wait3A_147 = tpu.memref_slice %arg7[%dma_wait3A_142, %dma_wait3A_146] : memref<80x128xi32, #tpu.memory_space<vmem>> -> memref<1x128xi32, #tpu.memory_space<vmem>>
    %dma_wait3A_148 = tpu.memref_squeeze %dma_wait3A_147 : memref<1x128xi32, #tpu.memory_space<vmem>> -> memref<128xi32, #tpu.memory_space<vmem>>
    %dma_wait3A_149 = arith.constant 0 : i32
    %dma_wait3A_150 = arith.constant 0 : i32
    %dma_wait3A_151 = tpu.memref_slice %arg2[%dma_wait3A_149, %dma_wait3A_150] : memref<10112x32xi32, #tpu.memory_space<hbm>> -> memref<10112x32xi32, #tpu.memory_space<hbm>>
    tpu.wait_indirect_dma semaphore(%arg17 : memref<!tpu.dma_semaphore, #tpu.memory_space<semaphore_mem>>) src(%dma_wait3A_151 : memref<10112x32xi32, #tpu.memory_space<hbm>>) dst(%dma_wait3A_145 : memref<128x32xi32, #tpu.memory_space<vmem>>)
    %dma_wait3A_152 = arith.constant 0 : i32
    %dma_wait3A_153 = arith.constant 0 : i32
    %dma_wait3A_154 = tpu.memref_slice %arg5[%dma_wait3A_152, %dma_wait3A_153] : memref<327680x32xi32, #tpu.memory_space<hbm>> -> memref<256x32xi32, #tpu.memory_space<hbm>>
    %dma_wait3A_155 = arith.constant 0 : i32
    %dma_wait3A_156 = arith.constant 0 : i32
    %dma_wait3A_157 = tpu.memref_slice %arg5[%dma_wait3A_155, %dma_wait3A_156] : memref<327680x32xi32, #tpu.memory_space<hbm>> -> memref<256x32xi32, #tpu.memory_space<hbm>>
    tpu.wait_dma2 semaphore(%arg19 : memref<!tpu.dma_semaphore, #tpu.memory_space<semaphore_mem>>) src(%dma_wait3A_157 : memref<256x32xi32, #tpu.memory_space<hbm>>) dst(%arg12 : memref<256x32xi32, #tpu.memory_space<vmem>>)
    %dma_wait3A_158 = arith.constant 0 : i32
    %dma_wait3A_159 = arith.constant 0 : i32
    %dma_wait3A_160 = arith.constant 0 : i32
    %dma_wait3A_161 = tpu.memref_slice %arg14[%dma_wait3A_159, %dma_wait3A_160] : memref<256x64xf32, #tpu.memory_space<vmem>> -> memref<128x64xf32, #tpu.memory_space<vmem>>
    %dma_wait3A_162 = arith.constant 0 : i32
    %dma_wait3A_163 = tpu.memref_slice %arg9[%dma_wait3A_158, %dma_wait3A_162] : memref<1x128xi32, #tpu.memory_space<vmem>> -> memref<1x128xi32, #tpu.memory_space<vmem>>
    %dma_wait3A_164 = tpu.memref_squeeze %dma_wait3A_163 : memref<1x128xi32, #tpu.memory_space<vmem>> -> memref<128xi32, #tpu.memory_space<vmem>>
    %dma_wait3A_165 = arith.constant 0 : i32
    %dma_wait3A_166 = arith.constant 0 : i32
    %dma_wait3A_167 = tpu.memref_slice %arg16[%dma_wait3A_165, %dma_wait3A_166] : memref<10112x64xf32, #tpu.memory_space<vmem_shared>> -> memref<10112x64xf32, #tpu.memory_space<vmem_shared>>
    tpu.wait_indirect_dma semaphore(%arg21 : memref<!tpu.dma_semaphore, #tpu.memory_space<semaphore_mem>>) src(%dma_wait3A_161 : memref<128x64xf32, #tpu.memory_space<vmem>>) dst(%dma_wait3A_167 : memref<10112x64xf32, #tpu.memory_space<vmem_shared>>)
    %dma_wait3A_168 = arith.constant 0 : i32
    %dma_wait3A_169 = arith.constant 128 : i32
    %dma_wait3A_170 = arith.constant 0 : i32
    %dma_wait3A_171 = tpu.memref_slice %arg14[%dma_wait3A_169, %dma_wait3A_170] : memref<256x64xf32, #tpu.memory_space<vmem>> -> memref<128x64xf32, #tpu.memory_space<vmem>>
    %dma_wait3A_172 = arith.constant 0 : i32
    %dma_wait3A_173 = tpu.memref_slice %arg9[%dma_wait3A_168, %dma_wait3A_172] : memref<1x128xi32, #tpu.memory_space<vmem>> -> memref<1x128xi32, #tpu.memory_space<vmem>>
    %dma_wait3A_174 = tpu.memref_squeeze %dma_wait3A_173 : memref<1x128xi32, #tpu.memory_space<vmem>> -> memref<128xi32, #tpu.memory_space<vmem>>
    %dma_wait3A_175 = arith.constant 0 : i32
    %dma_wait3A_176 = arith.constant 0 : i32
    %dma_wait3A_177 = tpu.memref_slice %arg16[%dma_wait3A_175, %dma_wait3A_176] : memref<10112x64xf32, #tpu.memory_space<vmem_shared>> -> memref<10112x64xf32, #tpu.memory_space<vmem_shared>>
    tpu.wait_indirect_dma semaphore(%arg21 : memref<!tpu.dma_semaphore, #tpu.memory_space<semaphore_mem>>) src(%dma_wait3A_171 : memref<128x64xf32, #tpu.memory_space<vmem>>) dst(%dma_wait3A_177 : memref<10112x64xf32, #tpu.memory_space<vmem_shared>>)
    %barrier3A_178 = arith.constant 0 : index
    tpu.barrier barrier_id(%barrier3A_178)
    %add3A_179 = arith.constant 0 : i32
    %add3A_180 = arith.addi %mul3A_11, %add3A_179 : i32
    "tpu.region"() ({
      %run_scoped3A = tpu.sem_alloc : memref<!tpu.dma_semaphore, #tpu.memory_space<semaphore_mem>>
      %dma_start3A_199 = arith.constant 0 : i32
      %dma_start3A_200 = arith.constant 0 : i32
      %dma_start3A_201 = tpu.memref_slice %arg14[%dma_start3A_199, %dma_start3A_200] : memref<256x64xf32, #tpu.memory_space<vmem>> -> memref<128x64xf32, #tpu.memory_space<vmem>>
      %dma_start3A_202 = arith.constant 0 : i32
      %dma_start3A_203 = tpu.memref_slice %arg16[%add3A_180, %dma_start3A_202] : memref<10112x64xf32, #tpu.memory_space<vmem_shared>> -> memref<128x64xf32, #tpu.memory_space<vmem_shared>>
      %dma_start3A_204 = arith.constant 0 : i32
      %dma_start3A_205 = arith.constant 0 : i32
      %dma_start3A_206 = tpu.memref_slice %arg14[%dma_start3A_204, %dma_start3A_205] : memref<256x64xf32, #tpu.memory_space<vmem>> -> memref<128x64xf32, #tpu.memory_space<vmem>>
      %dma_start3A_207 = arith.constant 0 : i32
      %dma_start3A_208 = tpu.memref_slice %arg16[%add3A_180, %dma_start3A_207] : memref<10112x64xf32, #tpu.memory_space<vmem_shared>> -> memref<128x64xf32, #tpu.memory_space<vmem_shared>>
      tpu.enqueue_dma source(%dma_start3A_208 : memref<128x64xf32, #tpu.memory_space<vmem_shared>>) target(%dma_start3A_206 : memref<128x64xf32, #tpu.memory_space<vmem>>) target_semaphore(%run_scoped3A : memref<!tpu.dma_semaphore, #tpu.memory_space<semaphore_mem>>)
      %dma_wait3A_209 = arith.constant 0 : i32
      %dma_wait3A_210 = arith.constant 0 : i32
      %dma_wait3A_211 = tpu.memref_slice %arg14[%dma_wait3A_209, %dma_wait3A_210] : memref<256x64xf32, #tpu.memory_space<vmem>> -> memref<128x64xf32, #tpu.memory_space<vmem>>
      %dma_wait3A_212 = arith.constant 0 : i32
      %dma_wait3A_213 = tpu.memref_slice %arg16[%add3A_180, %dma_wait3A_212] : memref<10112x64xf32, #tpu.memory_space<vmem_shared>> -> memref<128x64xf32, #tpu.memory_space<vmem_shared>>
      %dma_wait3A_214 = arith.constant 0 : i32
      %dma_wait3A_215 = arith.constant 0 : i32
      %dma_wait3A_216 = tpu.memref_slice %arg14[%dma_wait3A_214, %dma_wait3A_215] : memref<256x64xf32, #tpu.memory_space<vmem>> -> memref<128x64xf32, #tpu.memory_space<vmem>>
      %dma_wait3A_217 = arith.constant 0 : i32
      %dma_wait3A_218 = tpu.memref_slice %arg16[%add3A_180, %dma_wait3A_217] : memref<10112x64xf32, #tpu.memory_space<vmem_shared>> -> memref<128x64xf32, #tpu.memory_space<vmem_shared>>
      tpu.wait_dma2 semaphore(%run_scoped3A : memref<!tpu.dma_semaphore, #tpu.memory_space<semaphore_mem>>) src(%dma_wait3A_218 : memref<128x64xf32, #tpu.memory_space<vmem_shared>>) dst(%dma_wait3A_216 : memref<128x64xf32, #tpu.memory_space<vmem>>)
      tpu.yield
    }) : () -> ()
    %add3A_181 = arith.constant 0 : i32
    %add3A_182 = arith.addi %mul3A_11, %add3A_181 : i32
    "tpu.region"() ({
      %run_scoped3A = tpu.sem_alloc : memref<!tpu.dma_semaphore, #tpu.memory_space<semaphore_mem>>
      %dma_start3A_199 = arith.constant 0 : i32
      %dma_start3A_200 = arith.constant 0 : i32
      %dma_start3A_201 = tpu.memref_slice %arg14[%dma_start3A_199, %dma_start3A_200] : memref<256x64xf32, #tpu.memory_space<vmem>> -> memref<128x64xf32, #tpu.memory_space<vmem>>
      %dma_start3A_202 = arith.constant 0 : i32
      %dma_start3A_203 = tpu.memref_slice %arg6[%arg0, %add3A_182, %dma_start3A_202] : memref<2x10112x64xf32, #tpu.memory_space<hbm>> -> memref<1x128x64xf32, #tpu.memory_space<hbm>>
      %dma_start3A_204 = tpu.memref_squeeze %dma_start3A_203 : memref<1x128x64xf32, #tpu.memory_space<hbm>> -> memref<128x64xf32, #tpu.memory_space<hbm>>
      %dma_start3A_205 = arith.constant 0 : i32
      %dma_start3A_206 = tpu.memref_slice %arg6[%arg0, %add3A_182, %dma_start3A_205] : memref<2x10112x64xf32, #tpu.memory_space<hbm>> -> memref<1x128x64xf32, #tpu.memory_space<hbm>>
      %dma_start3A_207 = tpu.memref_squeeze %dma_start3A_206 : memref<1x128x64xf32, #tpu.memory_space<hbm>> -> memref<128x64xf32, #tpu.memory_space<hbm>>
      %dma_start3A_208 = arith.constant 0 : i32
      %dma_start3A_209 = arith.constant 0 : i32
      %dma_start3A_210 = tpu.memref_slice %arg14[%dma_start3A_208, %dma_start3A_209] : memref<256x64xf32, #tpu.memory_space<vmem>> -> memref<128x64xf32, #tpu.memory_space<vmem>>
      tpu.enqueue_dma source(%dma_start3A_210 : memref<128x64xf32, #tpu.memory_space<vmem>>) target(%dma_start3A_207 : memref<128x64xf32, #tpu.memory_space<hbm>>) target_semaphore(%run_scoped3A : memref<!tpu.dma_semaphore, #tpu.memory_space<semaphore_mem>>)
      %dma_wait3A_211 = arith.constant 0 : i32
      %dma_wait3A_212 = arith.constant 0 : i32
      %dma_wait3A_213 = tpu.memref_slice %arg14[%dma_wait3A_211, %dma_wait3A_212] : memref<256x64xf32, #tpu.memory_space<vmem>> -> memref<128x64xf32, #tpu.memory_space<vmem>>
      %dma_wait3A_214 = arith.constant 0 : i32
      %dma_wait3A_215 = tpu.memref_slice %arg6[%arg0, %add3A_182, %dma_wait3A_214] : memref<2x10112x64xf32, #tpu.memory_space<hbm>> -> memref<1x128x64xf32, #tpu.memory_space<hbm>>
      %dma_wait3A_216 = tpu.memref_squeeze %dma_wait3A_215 : memref<1x128x64xf32, #tpu.memory_space<hbm>> -> memref<128x64xf32, #tpu.memory_space<hbm>>
      %dma_wait3A_217 = arith.constant 0 : i32
      %dma_wait3A_218 = tpu.memref_slice %arg6[%arg0, %add3A_182, %dma_wait3A_217] : memref<2x10112x64xf32, #tpu.memory_space<hbm>> -> memref<1x128x64xf32, #tpu.memory_space<hbm>>
      %dma_wait3A_219 = tpu.memref_squeeze %dma_wait3A_218 : memref<1x128x64xf32, #tpu.memory_space<hbm>> -> memref<128x64xf32, #tpu.memory_space<hbm>>
      %dma_wait3A_220 = arith.constant 0 : i32
      %dma_wait3A_221 = arith.constant 0 : i32
      %dma_wait3A_222 = tpu.memref_slice %arg14[%dma_wait3A_220, %dma_wait3A_221] : memref<256x64xf32, #tpu.memory_space<vmem>> -> memref<128x64xf32, #tpu.memory_space<vmem>>
      tpu.wait_dma2 semaphore(%run_scoped3A : memref<!tpu.dma_semaphore, #tpu.memory_space<semaphore_mem>>) src(%dma_wait3A_222 : memref<128x64xf32, #tpu.memory_space<vmem>>) dst(%dma_wait3A_219 : memref<128x64xf32, #tpu.memory_space<hbm>>)
      tpu.yield
    }) : () -> ()
    %add3A_183 = arith.constant 128 : i32
    %add3A_184 = arith.addi %mul3A_11, %add3A_183 : i32
    "tpu.region"() ({
      %run_scoped3A = tpu.sem_alloc : memref<!tpu.dma_semaphore, #tpu.memory_space<semaphore_mem>>
      %dma_start3A_199 = arith.constant 0 : i32
      %dma_start3A_200 = arith.constant 0 : i32
      %dma_start3A_201 = tpu.memref_slice %arg14[%dma_start3A_199, %dma_start3A_200] : memref<256x64xf32, #tpu.memory_space<vmem>> -> memref<128x64xf32, #tpu.memory_space<vmem>>
      %dma_start3A_202 = arith.constant 0 : i32
      %dma_start3A_203 = tpu.memref_slice %arg16[%add3A_184, %dma_start3A_202] : memref<10112x64xf32, #tpu.memory_space<vmem_shared>> -> memref<128x64xf32, #tpu.memory_space<vmem_shared>>
      %dma_start3A_204 = arith.constant 0 : i32
      %dma_start3A_205 = arith.constant 0 : i32
      %dma_start3A_206 = tpu.memref_slice %arg14[%dma_start3A_204, %dma_start3A_205] : memref<256x64xf32, #tpu.memory_space<vmem>> -> memref<128x64xf32, #tpu.memory_space<vmem>>
      %dma_start3A_207 = arith.constant 0 : i32
      %dma_start3A_208 = tpu.memref_slice %arg16[%add3A_184, %dma_start3A_207] : memref<10112x64xf32, #tpu.memory_space<vmem_shared>> -> memref<128x64xf32, #tpu.memory_space<vmem_shared>>
      tpu.enqueue_dma source(%dma_start3A_208 : memref<128x64xf32, #tpu.memory_space<vmem_shared>>) target(%dma_start3A_206 : memref<128x64xf32, #tpu.memory_space<vmem>>) target_semaphore(%run_scoped3A : memref<!tpu.dma_semaphore, #tpu.memory_space<semaphore_mem>>)
      %dma_wait3A_209 = arith.constant 0 : i32
      %dma_wait3A_210 = arith.constant 0 : i32
      %dma_wait3A_211 = tpu.memref_slice %arg14[%dma_wait3A_209, %dma_wait3A_210] : memref<256x64xf32, #tpu.memory_space<vmem>> -> memref<128x64xf32, #tpu.memory_space<vmem>>
      %dma_wait3A_212 = arith.constant 0 : i32
      %dma_wait3A_213 = tpu.memref_slice %arg16[%add3A_184, %dma_wait3A_212] : memref<10112x64xf32, #tpu.memory_space<vmem_shared>> -> memref<128x64xf32, #tpu.memory_space<vmem_shared>>
      %dma_wait3A_214 = arith.constant 0 : i32
      %dma_wait3A_215 = arith.constant 0 : i32
      %dma_wait3A_216 = tpu.memref_slice %arg14[%dma_wait3A_214, %dma_wait3A_215] : memref<256x64xf32, #tpu.memory_space<vmem>> -> memref<128x64xf32, #tpu.memory_space<vmem>>
      %dma_wait3A_217 = arith.constant 0 : i32
      %dma_wait3A_218 = tpu.memref_slice %arg16[%add3A_184, %dma_wait3A_217] : memref<10112x64xf32, #tpu.memory_space<vmem_shared>> -> memref<128x64xf32, #tpu.memory_space<vmem_shared>>
      tpu.wait_dma2 semaphore(%run_scoped3A : memref<!tpu.dma_semaphore, #tpu.memory_space<semaphore_mem>>) src(%dma_wait3A_218 : memref<128x64xf32, #tpu.memory_space<vmem_shared>>) dst(%dma_wait3A_216 : memref<128x64xf32, #tpu.memory_space<vmem>>)
      tpu.yield
    }) : () -> ()
    %add3A_185 = arith.constant 128 : i32
    %add3A_186 = arith.addi %mul3A_11, %add3A_185 : i32
    "tpu.region"() ({
      %run_scoped3A = tpu.sem_alloc : memref<!tpu.dma_semaphore, #tpu.memory_space<semaphore_mem>>
      %dma_start3A_199 = arith.constant 0 : i32
      %dma_start3A_200 = arith.constant 0 : i32
      %dma_start3A_201 = tpu.memref_slice %arg14[%dma_start3A_199, %dma_start3A_200] : memref<256x64xf32, #tpu.memory_space<vmem>> -> memref<128x64xf32, #tpu.memory_space<vmem>>
      %dma_start3A_202 = arith.constant 0 : i32
      %dma_start3A_203 = tpu.memref_slice %arg6[%arg0, %add3A_186, %dma_start3A_202] : memref<2x10112x64xf32, #tpu.memory_space<hbm>> -> memref<1x128x64xf32, #tpu.memory_space<hbm>>
      %dma_start3A_204 = tpu.memref_squeeze %dma_start3A_203 : memref<1x128x64xf32, #tpu.memory_space<hbm>> -> memref<128x64xf32, #tpu.memory_space<hbm>>
      %dma_start3A_205 = arith.constant 0 : i32
      %dma_start3A_206 = tpu.memref_slice %arg6[%arg0, %add3A_186, %dma_start3A_205] : memref<2x10112x64xf32, #tpu.memory_space<hbm>> -> memref<1x128x64xf32, #tpu.memory_space<hbm>>
      %dma_start3A_207 = tpu.memref_squeeze %dma_start3A_206 : memref<1x128x64xf32, #tpu.memory_space<hbm>> -> memref<128x64xf32, #tpu.memory_space<hbm>>
      %dma_start3A_208 = arith.constant 0 : i32
      %dma_start3A_209 = arith.constant 0 : i32
      %dma_start3A_210 = tpu.memref_slice %arg14[%dma_start3A_208, %dma_start3A_209] : memref<256x64xf32, #tpu.memory_space<vmem>> -> memref<128x64xf32, #tpu.memory_space<vmem>>
      tpu.enqueue_dma source(%dma_start3A_210 : memref<128x64xf32, #tpu.memory_space<vmem>>) target(%dma_start3A_207 : memref<128x64xf32, #tpu.memory_space<hbm>>) target_semaphore(%run_scoped3A : memref<!tpu.dma_semaphore, #tpu.memory_space<semaphore_mem>>)
      %dma_wait3A_211 = arith.constant 0 : i32
      %dma_wait3A_212 = arith.constant 0 : i32
      %dma_wait3A_213 = tpu.memref_slice %arg14[%dma_wait3A_211, %dma_wait3A_212] : memref<256x64xf32, #tpu.memory_space<vmem>> -> memref<128x64xf32, #tpu.memory_space<vmem>>
      %dma_wait3A_214 = arith.constant 0 : i32
      %dma_wait3A_215 = tpu.memref_slice %arg6[%arg0, %add3A_186, %dma_wait3A_214] : memref<2x10112x64xf32, #tpu.memory_space<hbm>> -> memref<1x128x64xf32, #tpu.memory_space<hbm>>
      %dma_wait3A_216 = tpu.memref_squeeze %dma_wait3A_215 : memref<1x128x64xf32, #tpu.memory_space<hbm>> -> memref<128x64xf32, #tpu.memory_space<hbm>>
      %dma_wait3A_217 = arith.constant 0 : i32
      %dma_wait3A_218 = tpu.memref_slice %arg6[%arg0, %add3A_186, %dma_wait3A_217] : memref<2x10112x64xf32, #tpu.memory_space<hbm>> -> memref<1x128x64xf32, #tpu.memory_space<hbm>>
      %dma_wait3A_219 = tpu.memref_squeeze %dma_wait3A_218 : memref<1x128x64xf32, #tpu.memory_space<hbm>> -> memref<128x64xf32, #tpu.memory_space<hbm>>
      %dma_wait3A_220 = arith.constant 0 : i32
      %dma_wait3A_221 = arith.constant 0 : i32
      %dma_wait3A_222 = tpu.memref_slice %arg14[%dma_wait3A_220, %dma_wait3A_221] : memref<256x64xf32, #tpu.memory_space<vmem>> -> memref<128x64xf32, #tpu.memory_space<vmem>>
      tpu.wait_dma2 semaphore(%run_scoped3A : memref<!tpu.dma_semaphore, #tpu.memory_space<semaphore_mem>>) src(%dma_wait3A_222 : memref<128x64xf32, #tpu.memory_space<vmem>>) dst(%dma_wait3A_219 : memref<128x64xf32, #tpu.memory_space<hbm>>)
      tpu.yield
    }) : () -> ()
    %add3A_187 = arith.constant 256 : i32
    %add3A_188 = arith.addi %mul3A_11, %add3A_187 : i32
    "tpu.region"() ({
      %run_scoped3A = tpu.sem_alloc : memref<!tpu.dma_semaphore, #tpu.memory_space<semaphore_mem>>
      %dma_start3A_199 = arith.constant 0 : i32
      %dma_start3A_200 = arith.constant 0 : i32
      %dma_start3A_201 = tpu.memref_slice %arg14[%dma_start3A_199, %dma_start3A_200] : memref<256x64xf32, #tpu.memory_space<vmem>> -> memref<128x64xf32, #tpu.memory_space<vmem>>
      %dma_start3A_202 = arith.constant 0 : i32
      %dma_start3A_203 = tpu.memref_slice %arg16[%add3A_188, %dma_start3A_202] : memref<10112x64xf32, #tpu.memory_space<vmem_shared>> -> memref<128x64xf32, #tpu.memory_space<vmem_shared>>
      %dma_start3A_204 = arith.constant 0 : i32
      %dma_start3A_205 = arith.constant 0 : i32
      %dma_start3A_206 = tpu.memref_slice %arg14[%dma_start3A_204, %dma_start3A_205] : memref<256x64xf32, #tpu.memory_space<vmem>> -> memref<128x64xf32, #tpu.memory_space<vmem>>
      %dma_start3A_207 = arith.constant 0 : i32
      %dma_start3A_208 = tpu.memref_slice %arg16[%add3A_188, %dma_start3A_207] : memref<10112x64xf32, #tpu.memory_space<vmem_shared>> -> memref<128x64xf32, #tpu.memory_space<vmem_shared>>
      tpu.enqueue_dma source(%dma_start3A_208 : memref<128x64xf32, #tpu.memory_space<vmem_shared>>) target(%dma_start3A_206 : memref<128x64xf32, #tpu.memory_space<vmem>>) target_semaphore(%run_scoped3A : memref<!tpu.dma_semaphore, #tpu.memory_space<semaphore_mem>>)
      %dma_wait3A_209 = arith.constant 0 : i32
      %dma_wait3A_210 = arith.constant 0 : i32
      %dma_wait3A_211 = tpu.memref_slice %arg14[%dma_wait3A_209, %dma_wait3A_210] : memref<256x64xf32, #tpu.memory_space<vmem>> -> memref<128x64xf32, #tpu.memory_space<vmem>>
      %dma_wait3A_212 = arith.constant 0 : i32
      %dma_wait3A_213 = tpu.memref_slice %arg16[%add3A_188, %dma_wait3A_212] : memref<10112x64xf32, #tpu.memory_space<vmem_shared>> -> memref<128x64xf32, #tpu.memory_space<vmem_shared>>
      %dma_wait3A_214 = arith.constant 0 : i32
      %dma_wait3A_215 = arith.constant 0 : i32
      %dma_wait3A_216 = tpu.memref_slice %arg14[%dma_wait3A_214, %dma_wait3A_215] : memref<256x64xf32, #tpu.memory_space<vmem>> -> memref<128x64xf32, #tpu.memory_space<vmem>>
      %dma_wait3A_217 = arith.constant 0 : i32
      %dma_wait3A_218 = tpu.memref_slice %arg16[%add3A_188, %dma_wait3A_217] : memref<10112x64xf32, #tpu.memory_space<vmem_shared>> -> memref<128x64xf32, #tpu.memory_space<vmem_shared>>
      tpu.wait_dma2 semaphore(%run_scoped3A : memref<!tpu.dma_semaphore, #tpu.memory_space<semaphore_mem>>) src(%dma_wait3A_218 : memref<128x64xf32, #tpu.memory_space<vmem_shared>>) dst(%dma_wait3A_216 : memref<128x64xf32, #tpu.memory_space<vmem>>)
      tpu.yield
    }) : () -> ()
    %add3A_189 = arith.constant 256 : i32
    %add3A_190 = arith.addi %mul3A_11, %add3A_189 : i32
    "tpu.region"() ({
      %run_scoped3A = tpu.sem_alloc : memref<!tpu.dma_semaphore, #tpu.memory_space<semaphore_mem>>
      %dma_start3A_199 = arith.constant 0 : i32
      %dma_start3A_200 = arith.constant 0 : i32
      %dma_start3A_201 = tpu.memref_slice %arg14[%dma_start3A_199, %dma_start3A_200] : memref<256x64xf32, #tpu.memory_space<vmem>> -> memref<128x64xf32, #tpu.memory_space<vmem>>
      %dma_start3A_202 = arith.constant 0 : i32
      %dma_start3A_203 = tpu.memref_slice %arg6[%arg0, %add3A_190, %dma_start3A_202] : memref<2x10112x64xf32, #tpu.memory_space<hbm>> -> memref<1x128x64xf32, #tpu.memory_space<hbm>>
      %dma_start3A_204 = tpu.memref_squeeze %dma_start3A_203 : memref<1x128x64xf32, #tpu.memory_space<hbm>> -> memref<128x64xf32, #tpu.memory_space<hbm>>
      %dma_start3A_205 = arith.constant 0 : i32
      %dma_start3A_206 = tpu.memref_slice %arg6[%arg0, %add3A_190, %dma_start3A_205] : memref<2x10112x64xf32, #tpu.memory_space<hbm>> -> memref<1x128x64xf32, #tpu.memory_space<hbm>>
      %dma_start3A_207 = tpu.memref_squeeze %dma_start3A_206 : memref<1x128x64xf32, #tpu.memory_space<hbm>> -> memref<128x64xf32, #tpu.memory_space<hbm>>
      %dma_start3A_208 = arith.constant 0 : i32
      %dma_start3A_209 = arith.constant 0 : i32
      %dma_start3A_210 = tpu.memref_slice %arg14[%dma_start3A_208, %dma_start3A_209] : memref<256x64xf32, #tpu.memory_space<vmem>> -> memref<128x64xf32, #tpu.memory_space<vmem>>
      tpu.enqueue_dma source(%dma_start3A_210 : memref<128x64xf32, #tpu.memory_space<vmem>>) target(%dma_start3A_207 : memref<128x64xf32, #tpu.memory_space<hbm>>) target_semaphore(%run_scoped3A : memref<!tpu.dma_semaphore, #tpu.memory_space<semaphore_mem>>)
      %dma_wait3A_211 = arith.constant 0 : i32
      %dma_wait3A_212 = arith.constant 0 : i32
      %dma_wait3A_213 = tpu.memref_slice %arg14[%dma_wait3A_211, %dma_wait3A_212] : memref<256x64xf32, #tpu.memory_space<vmem>> -> memref<128x64xf32, #tpu.memory_space<vmem>>
      %dma_wait3A_214 = arith.constant 0 : i32
      %dma_wait3A_215 = tpu.memref_slice %arg6[%arg0, %add3A_190, %dma_wait3A_214] : memref<2x10112x64xf32, #tpu.memory_space<hbm>> -> memref<1x128x64xf32, #tpu.memory_space<hbm>>
      %dma_wait3A_216 = tpu.memref_squeeze %dma_wait3A_215 : memref<1x128x64xf32, #tpu.memory_space<hbm>> -> memref<128x64xf32, #tpu.memory_space<hbm>>
      %dma_wait3A_217 = arith.constant 0 : i32
      %dma_wait3A_218 = tpu.memref_slice %arg6[%arg0, %add3A_190, %dma_wait3A_217] : memref<2x10112x64xf32, #tpu.memory_space<hbm>> -> memref<1x128x64xf32, #tpu.memory_space<hbm>>
      %dma_wait3A_219 = tpu.memref_squeeze %dma_wait3A_218 : memref<1x128x64xf32, #tpu.memory_space<hbm>> -> memref<128x64xf32, #tpu.memory_space<hbm>>
      %dma_wait3A_220 = arith.constant 0 : i32
      %dma_wait3A_221 = arith.constant 0 : i32
      %dma_wait3A_222 = tpu.memref_slice %arg14[%dma_wait3A_220, %dma_wait3A_221] : memref<256x64xf32, #tpu.memory_space<vmem>> -> memref<128x64xf32, #tpu.memory_space<vmem>>
      tpu.wait_dma2 semaphore(%run_scoped3A : memref<!tpu.dma_semaphore, #tpu.memory_space<semaphore_mem>>) src(%dma_wait3A_222 : memref<128x64xf32, #tpu.memory_space<vmem>>) dst(%dma_wait3A_219 : memref<128x64xf32, #tpu.memory_space<hbm>>)
      tpu.yield
    }) : () -> ()
    %add3A_191 = arith.constant 384 : i32
    %add3A_192 = arith.addi %mul3A_11, %add3A_191 : i32
    "tpu.region"() ({
      %run_scoped3A = tpu.sem_alloc : memref<!tpu.dma_semaphore, #tpu.memory_space<semaphore_mem>>
      %dma_start3A_199 = arith.constant 0 : i32
      %dma_start3A_200 = arith.constant 0 : i32
      %dma_start3A_201 = tpu.memref_slice %arg14[%dma_start3A_199, %dma_start3A_200] : memref<256x64xf32, #tpu.memory_space<vmem>> -> memref<128x64xf32, #tpu.memory_space<vmem>>
      %dma_start3A_202 = arith.constant 0 : i32
      %dma_start3A_203 = tpu.memref_slice %arg16[%add3A_192, %dma_start3A_202] : memref<10112x64xf32, #tpu.memory_space<vmem_shared>> -> memref<128x64xf32, #tpu.memory_space<vmem_shared>>
      %dma_start3A_204 = arith.constant 0 : i32
      %dma_start3A_205 = arith.constant 0 : i32
      %dma_start3A_206 = tpu.memref_slice %arg14[%dma_start3A_204, %dma_start3A_205] : memref<256x64xf32, #tpu.memory_space<vmem>> -> memref<128x64xf32, #tpu.memory_space<vmem>>
      %dma_start3A_207 = arith.constant 0 : i32
      %dma_start3A_208 = tpu.memref_slice %arg16[%add3A_192, %dma_start3A_207] : memref<10112x64xf32, #tpu.memory_space<vmem_shared>> -> memref<128x64xf32, #tpu.memory_space<vmem_shared>>
      tpu.enqueue_dma source(%dma_start3A_208 : memref<128x64xf32, #tpu.memory_space<vmem_shared>>) target(%dma_start3A_206 : memref<128x64xf32, #tpu.memory_space<vmem>>) target_semaphore(%run_scoped3A : memref<!tpu.dma_semaphore, #tpu.memory_space<semaphore_mem>>)
      %dma_wait3A_209 = arith.constant 0 : i32
      %dma_wait3A_210 = arith.constant 0 : i32
      %dma_wait3A_211 = tpu.memref_slice %arg14[%dma_wait3A_209, %dma_wait3A_210] : memref<256x64xf32, #tpu.memory_space<vmem>> -> memref<128x64xf32, #tpu.memory_space<vmem>>
      %dma_wait3A_212 = arith.constant 0 : i32
      %dma_wait3A_213 = tpu.memref_slice %arg16[%add3A_192, %dma_wait3A_212] : memref<10112x64xf32, #tpu.memory_space<vmem_shared>> -> memref<128x64xf32, #tpu.memory_space<vmem_shared>>
      %dma_wait3A_214 = arith.constant 0 : i32
      %dma_wait3A_215 = arith.constant 0 : i32
      %dma_wait3A_216 = tpu.memref_slice %arg14[%dma_wait3A_214, %dma_wait3A_215] : memref<256x64xf32, #tpu.memory_space<vmem>> -> memref<128x64xf32, #tpu.memory_space<vmem>>
      %dma_wait3A_217 = arith.constant 0 : i32
      %dma_wait3A_218 = tpu.memref_slice %arg16[%add3A_192, %dma_wait3A_217] : memref<10112x64xf32, #tpu.memory_space<vmem_shared>> -> memref<128x64xf32, #tpu.memory_space<vmem_shared>>
      tpu.wait_dma2 semaphore(%run_scoped3A : memref<!tpu.dma_semaphore, #tpu.memory_space<semaphore_mem>>) src(%dma_wait3A_218 : memref<128x64xf32, #tpu.memory_space<vmem_shared>>) dst(%dma_wait3A_216 : memref<128x64xf32, #tpu.memory_space<vmem>>)
      tpu.yield
    }) : () -> ()
    %add3A_193 = arith.constant 384 : i32
    %add3A_194 = arith.addi %mul3A_11, %add3A_193 : i32
    "tpu.region"() ({
      %run_scoped3A = tpu.sem_alloc : memref<!tpu.dma_semaphore, #tpu.memory_space<semaphore_mem>>
      %dma_start3A_199 = arith.constant 0 : i32
      %dma_start3A_200 = arith.constant 0 : i32
      %dma_start3A_201 = tpu.memref_slice %arg14[%dma_start3A_199, %dma_start3A_200] : memref<256x64xf32, #tpu.memory_space<vmem>> -> memref<128x64xf32, #tpu.memory_space<vmem>>
      %dma_start3A_202 = arith.constant 0 : i32
      %dma_start3A_203 = tpu.memref_slice %arg6[%arg0, %add3A_194, %dma_start3A_202] : memref<2x10112x64xf32, #tpu.memory_space<hbm>> -> memref<1x128x64xf32, #tpu.memory_space<hbm>>
      %dma_start3A_204 = tpu.memref_squeeze %dma_start3A_203 : memref<1x128x64xf32, #tpu.memory_space<hbm>> -> memref<128x64xf32, #tpu.memory_space<hbm>>
      %dma_start3A_205 = arith.constant 0 : i32
      %dma_start3A_206 = tpu.memref_slice %arg6[%arg0, %add3A_194, %dma_start3A_205] : memref<2x10112x64xf32, #tpu.memory_space<hbm>> -> memref<1x128x64xf32, #tpu.memory_space<hbm>>
      %dma_start3A_207 = tpu.memref_squeeze %dma_start3A_206 : memref<1x128x64xf32, #tpu.memory_space<hbm>> -> memref<128x64xf32, #tpu.memory_space<hbm>>
      %dma_start3A_208 = arith.constant 0 : i32
      %dma_start3A_209 = arith.constant 0 : i32
      %dma_start3A_210 = tpu.memref_slice %arg14[%dma_start3A_208, %dma_start3A_209] : memref<256x64xf32, #tpu.memory_space<vmem>> -> memref<128x64xf32, #tpu.memory_space<vmem>>
      tpu.enqueue_dma source(%dma_start3A_210 : memref<128x64xf32, #tpu.memory_space<vmem>>) target(%dma_start3A_207 : memref<128x64xf32, #tpu.memory_space<hbm>>) target_semaphore(%run_scoped3A : memref<!tpu.dma_semaphore, #tpu.memory_space<semaphore_mem>>)
      %dma_wait3A_211 = arith.constant 0 : i32
      %dma_wait3A_212 = arith.constant 0 : i32
      %dma_wait3A_213 = tpu.memref_slice %arg14[%dma_wait3A_211, %dma_wait3A_212] : memref<256x64xf32, #tpu.memory_space<vmem>> -> memref<128x64xf32, #tpu.memory_space<vmem>>
      %dma_wait3A_214 = arith.constant 0 : i32
      %dma_wait3A_215 = tpu.memref_slice %arg6[%arg0, %add3A_194, %dma_wait3A_214] : memref<2x10112x64xf32, #tpu.memory_space<hbm>> -> memref<1x128x64xf32, #tpu.memory_space<hbm>>
      %dma_wait3A_216 = tpu.memref_squeeze %dma_wait3A_215 : memref<1x128x64xf32, #tpu.memory_space<hbm>> -> memref<128x64xf32, #tpu.memory_space<hbm>>
      %dma_wait3A_217 = arith.constant 0 : i32
      %dma_wait3A_218 = tpu.memref_slice %arg6[%arg0, %add3A_194, %dma_wait3A_217] : memref<2x10112x64xf32, #tpu.memory_space<hbm>> -> memref<1x128x64xf32, #tpu.memory_space<hbm>>
      %dma_wait3A_219 = tpu.memref_squeeze %dma_wait3A_218 : memref<1x128x64xf32, #tpu.memory_space<hbm>> -> memref<128x64xf32, #tpu.memory_space<hbm>>
      %dma_wait3A_220 = arith.constant 0 : i32
      %dma_wait3A_221 = arith.constant 0 : i32
      %dma_wait3A_222 = tpu.memref_slice %arg14[%dma_wait3A_220, %dma_wait3A_221] : memref<256x64xf32, #tpu.memory_space<vmem>> -> memref<128x64xf32, #tpu.memory_space<vmem>>
      tpu.wait_dma2 semaphore(%run_scoped3A : memref<!tpu.dma_semaphore, #tpu.memory_space<semaphore_mem>>) src(%dma_wait3A_222 : memref<128x64xf32, #tpu.memory_space<vmem>>) dst(%dma_wait3A_219 : memref<128x64xf32, #tpu.memory_space<hbm>>)
      tpu.yield
    }) : () -> ()
    %add3A_195 = arith.constant 512 : i32
    %add3A_196 = arith.addi %mul3A_11, %add3A_195 : i32
    "tpu.region"() ({
      %run_scoped3A = tpu.sem_alloc : memref<!tpu.dma_semaphore, #tpu.memory_space<semaphore_mem>>
      %dma_start3A_199 = arith.constant 0 : i32
      %dma_start3A_200 = arith.constant 0 : i32
      %dma_start3A_201 = tpu.memref_slice %arg14[%dma_start3A_199, %dma_start3A_200] : memref<256x64xf32, #tpu.memory_space<vmem>> -> memref<120x64xf32, #tpu.memory_space<vmem>>
      %dma_start3A_202 = arith.constant 0 : i32
      %dma_start3A_203 = tpu.memref_slice %arg16[%add3A_196, %dma_start3A_202] : memref<10112x64xf32, #tpu.memory_space<vmem_shared>> -> memref<120x64xf32, #tpu.memory_space<vmem_shared>>
      %dma_start3A_204 = arith.constant 0 : i32
      %dma_start3A_205 = arith.constant 0 : i32
      %dma_start3A_206 = tpu.memref_slice %arg14[%dma_start3A_204, %dma_start3A_205] : memref<256x64xf32, #tpu.memory_space<vmem>> -> memref<120x64xf32, #tpu.memory_space<vmem>>
      %dma_start3A_207 = arith.constant 0 : i32
      %dma_start3A_208 = tpu.memref_slice %arg16[%add3A_196, %dma_start3A_207] : memref<10112x64xf32, #tpu.memory_space<vmem_shared>> -> memref<120x64xf32, #tpu.memory_space<vmem_shared>>
      tpu.enqueue_dma source(%dma_start3A_208 : memref<120x64xf32, #tpu.memory_space<vmem_shared>>) target(%dma_start3A_206 : memref<120x64xf32, #tpu.memory_space<vmem>>) target_semaphore(%run_scoped3A : memref<!tpu.dma_semaphore, #tpu.memory_space<semaphore_mem>>)
      %dma_wait3A_209 = arith.constant 0 : i32
      %dma_wait3A_210 = arith.constant 0 : i32
      %dma_wait3A_211 = tpu.memref_slice %arg14[%dma_wait3A_209, %dma_wait3A_210] : memref<256x64xf32, #tpu.memory_space<vmem>> -> memref<120x64xf32, #tpu.memory_space<vmem>>
      %dma_wait3A_212 = arith.constant 0 : i32
      %dma_wait3A_213 = tpu.memref_slice %arg16[%add3A_196, %dma_wait3A_212] : memref<10112x64xf32, #tpu.memory_space<vmem_shared>> -> memref<120x64xf32, #tpu.memory_space<vmem_shared>>
      %dma_wait3A_214 = arith.constant 0 : i32
      %dma_wait3A_215 = arith.constant 0 : i32
      %dma_wait3A_216 = tpu.memref_slice %arg14[%dma_wait3A_214, %dma_wait3A_215] : memref<256x64xf32, #tpu.memory_space<vmem>> -> memref<120x64xf32, #tpu.memory_space<vmem>>
      %dma_wait3A_217 = arith.constant 0 : i32
      %dma_wait3A_218 = tpu.memref_slice %arg16[%add3A_196, %dma_wait3A_217] : memref<10112x64xf32, #tpu.memory_space<vmem_shared>> -> memref<120x64xf32, #tpu.memory_space<vmem_shared>>
      tpu.wait_dma2 semaphore(%run_scoped3A : memref<!tpu.dma_semaphore, #tpu.memory_space<semaphore_mem>>) src(%dma_wait3A_218 : memref<120x64xf32, #tpu.memory_space<vmem_shared>>) dst(%dma_wait3A_216 : memref<120x64xf32, #tpu.memory_space<vmem>>)
      tpu.yield
    }) : () -> ()
    %add3A_197 = arith.constant 512 : i32
    %add3A_198 = arith.addi %mul3A_11, %add3A_197 : i32
    "tpu.region"() ({
      %run_scoped3A = tpu.sem_alloc : memref<!tpu.dma_semaphore, #tpu.memory_space<semaphore_mem>>
      %dma_start3A_199 = arith.constant 0 : i32
      %dma_start3A_200 = arith.constant 0 : i32
      %dma_start3A_201 = tpu.memref_slice %arg14[%dma_start3A_199, %dma_start3A_200] : memref<256x64xf32, #tpu.memory_space<vmem>> -> memref<120x64xf32, #tpu.memory_space<vmem>>
      %dma_start3A_202 = arith.constant 0 : i32
      %dma_start3A_203 = tpu.memref_slice %arg6[%arg0, %add3A_198, %dma_start3A_202] : memref<2x10112x64xf32, #tpu.memory_space<hbm>> -> memref<1x120x64xf32, #tpu.memory_space<hbm>>
      %dma_start3A_204 = tpu.memref_squeeze %dma_start3A_203 : memref<1x120x64xf32, #tpu.memory_space<hbm>> -> memref<120x64xf32, #tpu.memory_space<hbm>>
      %dma_start3A_205 = arith.constant 0 : i32
      %dma_start3A_206 = tpu.memref_slice %arg6[%arg0, %add3A_198, %dma_start3A_205] : memref<2x10112x64xf32, #tpu.memory_space<hbm>> -> memref<1x120x64xf32, #tpu.memory_space<hbm>>
      %dma_start3A_207 = tpu.memref_squeeze %dma_start3A_206 : memref<1x120x64xf32, #tpu.memory_space<hbm>> -> memref<120x64xf32, #tpu.memory_space<hbm>>
      %dma_start3A_208 = arith.constant 0 : i32
      %dma_start3A_209 = arith.constant 0 : i32
      %dma_start3A_210 = tpu.memref_slice %arg14[%dma_start3A_208, %dma_start3A_209] : memref<256x64xf32, #tpu.memory_space<vmem>> -> memref<120x64xf32, #tpu.memory_space<vmem>>
      tpu.enqueue_dma source(%dma_start3A_210 : memref<120x64xf32, #tpu.memory_space<vmem>>) target(%dma_start3A_207 : memref<120x64xf32, #tpu.memory_space<hbm>>) target_semaphore(%run_scoped3A : memref<!tpu.dma_semaphore, #tpu.memory_space<semaphore_mem>>)
      %dma_wait3A_211 = arith.constant 0 : i32
      %dma_wait3A_212 = arith.constant 0 : i32
      %dma_wait3A_213 = tpu.memref_slice %arg14[%dma_wait3A_211, %dma_wait3A_212] : memref<256x64xf32, #tpu.memory_space<vmem>> -> memref<120x64xf32, #tpu.memory_space<vmem>>
      %dma_wait3A_214 = arith.constant 0 : i32
      %dma_wait3A_215 = tpu.memref_slice %arg6[%arg0, %add3A_198, %dma_wait3A_214] : memref<2x10112x64xf32, #tpu.memory_space<hbm>> -> memref<1x120x64xf32, #tpu.memory_space<hbm>>
      %dma_wait3A_216 = tpu.memref_squeeze %dma_wait3A_215 : memref<1x120x64xf32, #tpu.memory_space<hbm>> -> memref<120x64xf32, #tpu.memory_space<hbm>>
      %dma_wait3A_217 = arith.constant 0 : i32
      %dma_wait3A_218 = tpu.memref_slice %arg6[%arg0, %add3A_198, %dma_wait3A_217] : memref<2x10112x64xf32, #tpu.memory_space<hbm>> -> memref<1x120x64xf32, #tpu.memory_space<hbm>>
      %dma_wait3A_219 = tpu.memref_squeeze %dma_wait3A_218 : memref<1x120x64xf32, #tpu.memory_space<hbm>> -> memref<120x64xf32, #tpu.memory_space<hbm>>
      %dma_wait3A_220 = arith.constant 0 : i32
      %dma_wait3A_221 = arith.constant 0 : i32
      %dma_wait3A_222 = tpu.memref_slice %arg14[%dma_wait3A_220, %dma_wait3A_221] : memref<256x64xf32, #tpu.memory_space<vmem>> -> memref<120x64xf32, #tpu.memory_space<vmem>>
      tpu.wait_dma2 semaphore(%run_scoped3A : memref<!tpu.dma_semaphore, #tpu.memory_space<semaphore_mem>>) src(%dma_wait3A_222 : memref<120x64xf32, #tpu.memory_space<vmem>>) dst(%dma_wait3A_219 : memref<120x64xf32, #tpu.memory_space<hbm>>)
      tpu.yield
    }) : () -> ()
    return
  }
}

module attributes {stable_mosaic.version = 14 : i64} {
  func.func @_enc_kernel(%arg0: memref<10000x128xf32, #tpu.memory_space<vmem>>, %arg1: memref<128x64xf32, #tpu.memory_space<vmem>>, %arg2: memref<64xf32, #tpu.memory_space<vmem>>, %arg3: memref<128x64xf32, #tpu.memory_space<vmem>>, %arg4: memref<64xf32, #tpu.memory_space<vmem>>, %arg5: memref<10000x64xf32, #tpu.memory_space<vmem>>, %arg6: memref<10112x32xi32, #tpu.memory_space<vmem>>) attributes {dimension_semantics = [], scalar_prefetch = 0 : i64, scratch_operands = 0 : i64, tpu.core_type = #tpu.core_type<tc>} {
    %get3A = arith.constant 0 : index
    %get3A_0 = arith.constant 0 : index
    %get3A_1 = vector.load %arg0[%get3A, %get3A_0] : memref<10000x128xf32, #tpu.memory_space<vmem>>, vector<10000x128xf32>
    %get3A_2 = arith.constant 0 : index
    %get3A_3 = arith.constant 0 : index
    %get3A_4 = vector.load %arg1[%get3A_2, %get3A_3] : memref<128x64xf32, #tpu.memory_space<vmem>>, vector<128x64xf32>
    %dot_general3A = arith.constant dense<0.000000e+00> : vector<10000x64xf32>
    %dot_general3A_5 = tpu.matmul %get3A_1, %get3A_4, %dot_general3A {dimension_numbers = #tpu.dot_dimension_numbers<[1], [0], [0], [1], [0, 0, 1, 1], [], []>, transpose_lhs_hint = false} : vector<10000x128xf32>, vector<128x64xf32>, vector<10000x64xf32> -> vector<10000x64xf32>
    %get3A_6 = arith.constant 0 : index
    %get3A_7 = vector.load %arg2[%get3A_6] : memref<64xf32, #tpu.memory_space<vmem>>, vector<64xf32>
    %broadcast_in_dim3A = vector.shape_cast %get3A_7 : vector<64xf32> to vector<1x64xf32>
    %add3A = vector.broadcast %broadcast_in_dim3A : vector<1x64xf32> to vector<10000x64xf32>
    %add3A_8 = arith.addf %dot_general3A_5, %add3A : vector<10000x64xf32>
    %swap3A = arith.constant 0 : index
    %swap3A_9 = arith.constant 0 : index
    %swap3A_10 = vector.load %arg5[%swap3A, %swap3A_9] : memref<10000x64xf32, #tpu.memory_space<vmem>>, vector<10000x64xf32>
    tpu.vector_store %arg5[%swap3A, %swap3A_9], %add3A_8 {strides = array<i32>} : memref<10000x64xf32, #tpu.memory_space<vmem>>, vector<10000x64xf32>,
    %get3A_11 = arith.constant 0 : index
    %get3A_12 = arith.constant 0 : index
    %get3A_13 = vector.load %arg3[%get3A_11, %get3A_12] : memref<128x64xf32, #tpu.memory_space<vmem>>, vector<128x64xf32>
    %dot_general3A_14 = arith.constant dense<0.000000e+00> : vector<10000x64xf32>
    %dot_general3A_15 = tpu.matmul %get3A_1, %get3A_13, %dot_general3A_14 {dimension_numbers = #tpu.dot_dimension_numbers<[1], [0], [0], [1], [0, 0, 1, 1], [], []>, transpose_lhs_hint = false} : vector<10000x128xf32>, vector<128x64xf32>, vector<10000x64xf32> -> vector<10000x64xf32>
    %get3A_16 = arith.constant 0 : index
    %get3A_17 = vector.load %arg4[%get3A_16] : memref<64xf32, #tpu.memory_space<vmem>>, vector<64xf32>
    %broadcast_in_dim3A_18 = vector.shape_cast %get3A_17 : vector<64xf32> to vector<1x64xf32>
    %add3A_19 = vector.broadcast %broadcast_in_dim3A_18 : vector<1x64xf32> to vector<10000x64xf32>
    %add3A_20 = arith.addf %dot_general3A_15, %add3A_19 : vector<10000x64xf32>
    %slice3A = vector.extract_strided_slice %add3A_20 {offsets = [0, 0], sizes = [10000, 32], strides = [1, 1]} : vector<10000x64xf32> to vector<10000x32xf32>
    %convert_element_type3A = arith.truncf %slice3A : vector<10000x32xf32> to vector<10000x32xbf16>
    %bitcast_convert_type3A = tpu.bitcast %convert_element_type3A : vector<10000x32xbf16> -> vector<10000x32xi16>
    %convert_element_type3A_21 = arith.extui %bitcast_convert_type3A : vector<10000x32xi16> to vector<10000x32xi32>
    %slice3A_22 = vector.extract_strided_slice %add3A_20 {offsets = [0, 32], sizes = [10000, 32], strides = [1, 1]} : vector<10000x64xf32> to vector<10000x32xf32>
    %convert_element_type3A_23 = arith.truncf %slice3A_22 : vector<10000x32xf32> to vector<10000x32xbf16>
    %bitcast_convert_type3A_24 = tpu.bitcast %convert_element_type3A_23 : vector<10000x32xbf16> -> vector<10000x32xi16>
    %convert_element_type3A_25 = arith.extui %bitcast_convert_type3A_24 : vector<10000x32xi16> to vector<10000x32xi32>
    %shift_left3A = arith.constant 16 : i32
    %shift_left3A_26 = vector.broadcast %shift_left3A : i32 to vector<10000x32xi32>
    %shift_left3A_27 = arith.shli %convert_element_type3A_25, %shift_left3A_26 : vector<10000x32xi32>
    %or3A = arith.ori %convert_element_type3A_21, %shift_left3A_27 : vector<10000x32xi32>
    %bitcast_convert_type3A_28 = tpu.bitcast %or3A : vector<10000x32xi32> -> vector<10000x32xi32>
    %swap3A_29 = arith.constant 0 : index
    %swap3A_30 = arith.constant 0 : index
    %swap3A_31 = vector.load %arg6[%swap3A_29, %swap3A_30] : memref<10112x32xi32, #tpu.memory_space<vmem>>, vector<10000x32xi32>
    tpu.vector_store %arg6[%swap3A_29, %swap3A_30], %bitcast_convert_type3A_28 {strides = array<i32>} : memref<10112x32xi32, #tpu.memory_space<vmem>>, vector<10000x32xi32>,
    %broadcast_in_dim3A_32 = arith.constant 0 : i32
    %broadcast_in_dim3A_33 = vector.broadcast %broadcast_in_dim3A_32 : i32 to vector<112x32xi32>
    %swap3A_34 = arith.constant 10000 : index
    %swap3A_35 = arith.constant 0 : index
    %swap3A_36 = vector.load %arg6[%swap3A_34, %swap3A_35] : memref<10112x32xi32, #tpu.memory_space<vmem>>, vector<112x32xi32>
    tpu.vector_store %arg6[%swap3A_34, %swap3A_35], %broadcast_in_dim3A_33 {strides = array<i32>} : memref<10112x32xi32, #tpu.memory_space<vmem>>, vector<112x32xi32>,
    return
  }
}

module attributes {stable_mosaic.version = 14 : i64} {
  func.func @_eemb_kernel(%arg0: i32, %arg1: memref<4096x16xf32, #tpu.memory_space<vmem>>, %arg2: memref<1x16x64xf32, #tpu.memory_space<vmem>>, %arg3: memref<1x1x64xf32, #tpu.memory_space<vmem>>, %arg4: memref<4096x32xi32, #tpu.memory_space<vmem>>) attributes {dimension_semantics = [#tpu.dimension_semantics<arbitrary>], iteration_bounds = array<i64: 80>, scalar_prefetch = 0 : i64, scratch_operands = 0 : i64, tpu.core_type = #tpu.core_type<tc>, window_params = [{transform_indices = @transform_0, window_bounds = array<i64: 4096, 16>}, {pipeline_mode = #tpu.pipeline_mode<synchronous>, transform_indices = @transform_1, window_bounds = array<i64: 1, 16, 64>}, {pipeline_mode = #tpu.pipeline_mode<synchronous>, transform_indices = @transform_2, window_bounds = array<i64: 1, 1, 64>}, {transform_indices = @transform_3, window_bounds = array<i64: 4096, 32>}]} {
    %get3A = arith.constant 0 : index
    %get3A_0 = arith.constant 0 : index
    %get3A_1 = vector.load %arg1[%get3A, %get3A_0] : memref<4096x16xf32, #tpu.memory_space<vmem>>, vector<4096x16xf32>
    %get3A_2 = arith.constant 0 : index
    %get3A_3 = arith.constant 0 : index
    %get3A_4 = arith.constant 0 : index
    %get3A_5 = vector.load %arg2[%get3A_2, %get3A_3, %get3A_4] : memref<1x16x64xf32, #tpu.memory_space<vmem>>, vector<1x16x64xf32>
    %get3A_6 = vector.shape_cast %get3A_5 : vector<1x16x64xf32> to vector<16x64xf32>
    %dot_general3A = arith.constant dense<0.000000e+00> : vector<4096x64xf32>
    %dot_general3A_7 = tpu.matmul %get3A_1, %get3A_6, %dot_general3A {dimension_numbers = #tpu.dot_dimension_numbers<[1], [0], [0], [1], [0, 0, 1, 1], [], []>, transpose_lhs_hint = false} : vector<4096x16xf32>, vector<16x64xf32>, vector<4096x64xf32> -> vector<4096x64xf32>
    %get3A_8 = arith.constant 0 : index
    %get3A_9 = arith.constant 0 : index
    %get3A_10 = arith.constant 0 : index
    %get3A_11 = vector.load %arg3[%get3A_8, %get3A_9, %get3A_10] : memref<1x1x64xf32, #tpu.memory_space<vmem>>, vector<1x1x64xf32>
    %get3A_12 = vector.shape_cast %get3A_11 : vector<1x1x64xf32> to vector<1x64xf32>
    %add3A = vector.broadcast %get3A_12 : vector<1x64xf32> to vector<4096x64xf32>
    %add3A_13 = arith.addf %dot_general3A_7, %add3A : vector<4096x64xf32>
    %slice3A = vector.extract_strided_slice %add3A_13 {offsets = [0, 0], sizes = [4096, 32], strides = [1, 1]} : vector<4096x64xf32> to vector<4096x32xf32>
    %convert_element_type3A = arith.truncf %slice3A : vector<4096x32xf32> to vector<4096x32xbf16>
    %bitcast_convert_type3A = tpu.bitcast %convert_element_type3A : vector<4096x32xbf16> -> vector<4096x32xi16>
    %convert_element_type3A_14 = arith.extui %bitcast_convert_type3A : vector<4096x32xi16> to vector<4096x32xi32>
    %slice3A_15 = vector.extract_strided_slice %add3A_13 {offsets = [0, 32], sizes = [4096, 32], strides = [1, 1]} : vector<4096x64xf32> to vector<4096x32xf32>
    %convert_element_type3A_16 = arith.truncf %slice3A_15 : vector<4096x32xf32> to vector<4096x32xbf16>
    %bitcast_convert_type3A_17 = tpu.bitcast %convert_element_type3A_16 : vector<4096x32xbf16> -> vector<4096x32xi16>
    %convert_element_type3A_18 = arith.extui %bitcast_convert_type3A_17 : vector<4096x32xi16> to vector<4096x32xi32>
    %shift_left3A = arith.constant 16 : i32
    %shift_left3A_19 = vector.broadcast %shift_left3A : i32 to vector<4096x32xi32>
    %shift_left3A_20 = arith.shli %convert_element_type3A_18, %shift_left3A_19 : vector<4096x32xi32>
    %or3A = arith.ori %convert_element_type3A_14, %shift_left3A_20 : vector<4096x32xi32>
    %bitcast_convert_type3A_21 = tpu.bitcast %or3A : vector<4096x32xi32> -> vector<4096x32xi32>
    %swap3A = arith.constant 0 : index
    %swap3A_22 = arith.constant 0 : index
    %swap3A_23 = vector.load %arg4[%swap3A, %swap3A_22] : memref<4096x32xi32, #tpu.memory_space<vmem>>, vector<4096x32xi32>
    tpu.vector_store %arg4[%swap3A, %swap3A_22], %bitcast_convert_type3A_21 {strides = array<i32>} : memref<4096x32xi32, #tpu.memory_space<vmem>>, vector<4096x32xi32>,
    return
  }
  func.func @transform_0(%arg0: i32) -> (i32, i32) {
    %c0_i32 = arith.constant 0 : i32
    %c0_i32_0 = arith.constant 0 : i32
    return %arg0, %c0_i32 : i32, i32
  }
  func.func @transform_1(%arg0: i32) -> (i32, i32, i32) {
    %c0_i32 = arith.constant 0 : i32
    %c0_i32_0 = arith.constant 0 : i32
    %c0_i32_1 = arith.constant 0 : i32
    %c0_i32_2 = arith.constant 0 : i32
    return %c0_i32, %c0_i32_0, %c0_i32_1 : i32, i32, i32
  }
  func.func @transform_2(%arg0: i32) -> (i32, i32, i32) {
    %c0_i32 = arith.constant 0 : i32
    %c0_i32_0 = arith.constant 0 : i32
    %c0_i32_1 = arith.constant 0 : i32
    %c0_i32_2 = arith.constant 0 : i32
    return %c0_i32, %c0_i32_0, %c0_i32_1 : i32, i32, i32
  }
  func.func @transform_3(%arg0: i32) -> (i32, i32) {
    %c0_i32 = arith.constant 0 : i32
    %c0_i32_0 = arith.constant 0 : i32
    return %arg0, %c0_i32 : i32, i32
  }
}

module attributes {stable_mosaic.version = 14 : i64} {
  func.func @_mlp_kernel(%arg0: memref<10000x64xf32, #tpu.memory_space<vmem>>, %arg1: memref<2x10112x64xf32, #tpu.memory_space<vmem>>, %arg2: memref<1xf32, #tpu.memory_space<smem>>, %arg3: memref<64x128xf32, #tpu.memory_space<vmem>>, %arg4: memref<128xf32, #tpu.memory_space<vmem>>, %arg5: memref<128xf32, #tpu.memory_space<vmem>>, %arg6: memref<128xf32, #tpu.memory_space<vmem>>, %arg7: memref<128x64xf32, #tpu.memory_space<vmem>>, %arg8: memref<64xf32, #tpu.memory_space<vmem>>, %arg9: memref<64xf32, #tpu.memory_space<vmem>>, %arg10: memref<64xf32, #tpu.memory_space<vmem>>, %arg11: memref<128x64xf32, #tpu.memory_space<vmem>>, %arg12: memref<64xf32, #tpu.memory_space<vmem>>, %arg13: memref<64xf32, #tpu.memory_space<vmem>>, %arg14: memref<64xf32, #tpu.memory_space<vmem>>, %arg15: memref<10000x64xf32, #tpu.memory_space<vmem>>, %arg16: memref<10112x32xi32, #tpu.memory_space<vmem>>) attributes {dimension_semantics = [], scalar_prefetch = 0 : i64, scratch_operands = 0 : i64, tpu.core_type = #tpu.core_type<tc>} {
    %get3A = arith.constant 0 : index
    %get3A_0 = arith.constant 0 : index
    %get3A_1 = vector.load %arg0[%get3A, %get3A_0] : memref<10000x64xf32, #tpu.memory_space<vmem>>, vector<10000x64xf32>
    %get3A_2 = arith.constant 0 : index
    %get3A_3 = arith.constant 0 : index
    %get3A_4 = arith.constant 0 : index
    %get3A_5 = vector.load %arg1[%get3A_2, %get3A_3, %get3A_4] : memref<2x10112x64xf32, #tpu.memory_space<vmem>>, vector<1x10000x64xf32>
    %get3A_6 = vector.shape_cast %get3A_5 : vector<1x10000x64xf32> to vector<10000x64xf32>
    %get3A_7 = arith.constant 1 : index
    %get3A_8 = arith.constant 0 : index
    %get3A_9 = arith.constant 0 : index
    %get3A_10 = vector.load %arg1[%get3A_7, %get3A_8, %get3A_9] : memref<2x10112x64xf32, #tpu.memory_space<vmem>>, vector<1x10000x64xf32>
    %get3A_11 = vector.shape_cast %get3A_10 : vector<1x10000x64xf32> to vector<10000x64xf32>
    %add3A = arith.addf %get3A_6, %get3A_11 : vector<10000x64xf32>
    %get3A_12 = arith.constant 0 : index
    %get3A_13 = memref.load %arg2[%get3A_12] : memref<1xf32, #tpu.memory_space<smem>>
    %add3A_14 = arith.constant 1.000000e+00 : f32
    %add3A_15 = arith.addf %add3A_14, %get3A_13 : f32
    %mul3A = vector.broadcast %add3A_15 : f32 to vector<10000x64xf32>
    %mul3A_16 = arith.mulf %mul3A, %get3A_1 : vector<10000x64xf32>
    %add3A_17 = arith.addf %mul3A_16, %add3A : vector<10000x64xf32>
    %get3A_18 = arith.constant 0 : index
    %get3A_19 = arith.constant 0 : index
    %get3A_20 = vector.load %arg3[%get3A_18, %get3A_19] : memref<64x128xf32, #tpu.memory_space<vmem>>, vector<64x128xf32>
    %dot_general3A = arith.constant dense<0.000000e+00> : vector<10000x128xf32>
    %dot_general3A_21 = tpu.matmul %add3A_17, %get3A_20, %dot_general3A {dimension_numbers = #tpu.dot_dimension_numbers<[1], [0], [0], [1], [0, 0, 1, 1], [], []>, transpose_lhs_hint = false} : vector<10000x64xf32>, vector<64x128xf32>, vector<10000x128xf32> -> vector<10000x128xf32>
    %get3A_22 = arith.constant 0 : index
    %get3A_23 = vector.load %arg4[%get3A_22] : memref<128xf32, #tpu.memory_space<vmem>>, vector<128xf32>
    %broadcast_in_dim3A = vector.shape_cast %get3A_23 : vector<128xf32> to vector<1x128xf32>
    %add3A_24 = vector.broadcast %broadcast_in_dim3A : vector<1x128xf32> to vector<10000x128xf32>
    %add3A_25 = arith.addf %dot_general3A_21, %add3A_24 : vector<10000x128xf32>
    %get3A_26 = arith.constant 0 : index
    %get3A_27 = vector.load %arg5[%get3A_26] : memref<128xf32, #tpu.memory_space<vmem>>, vector<128xf32>
    %get3A_28 = arith.constant 0 : index
    %get3A_29 = vector.load %arg6[%get3A_28] : memref<128xf32, #tpu.memory_space<vmem>>, vector<128xf32>
    %reduce_sum3A = arith.constant dense<0.000000e+00> : vector<128xf32>
    %reduce_sum3A_30 = vector.multi_reduction <add>, %add3A_25, %reduce_sum3A [0] : vector<10000x128xf32> to vector<128xf32>
    %div3A = arith.constant 1.000000e+04 : f32
    %div3A_31 = vector.broadcast %div3A : f32 to vector<128xf32>
    %div3A_32 = arith.divf %reduce_sum3A_30, %div3A_31 : vector<128xf32>
    %broadcast_in_dim3A_33 = vector.shape_cast %div3A_32 : vector<128xf32> to vector<1x128xf32>
    %sub3A = vector.broadcast %broadcast_in_dim3A_33 : vector<1x128xf32> to vector<10000x128xf32>
    %sub3A_34 = arith.subf %add3A_25, %sub3A : vector<10000x128xf32>
    %integer_pow3A = arith.mulf %sub3A_34, %sub3A_34 : vector<10000x128xf32>
    %reduce_sum3A_35 = arith.constant dense<0.000000e+00> : vector<128xf32>
    %reduce_sum3A_36 = vector.multi_reduction <add>, %integer_pow3A, %reduce_sum3A_35 [0] : vector<10000x128xf32> to vector<128xf32>
    %div3A_37 = arith.constant 1.000000e+04 : f32
    %div3A_38 = vector.broadcast %div3A_37 : f32 to vector<128xf32>
    %div3A_39 = arith.divf %reduce_sum3A_36, %div3A_38 : vector<128xf32>
    %broadcast_in_dim3A_40 = vector.shape_cast %div3A_32 : vector<128xf32> to vector<1x128xf32>
    %sub3A_41 = vector.broadcast %broadcast_in_dim3A_40 : vector<1x128xf32> to vector<10000x128xf32>
    %sub3A_42 = arith.subf %add3A_25, %sub3A_41 : vector<10000x128xf32>
    %add3A_43 = arith.constant 9.99999974E-6 : f32
    %add3A_44 = vector.broadcast %add3A_43 : f32 to vector<128xf32>
    %add3A_45 = arith.addf %div3A_39, %add3A_44 : vector<128xf32>
    %sqrt3A = math.sqrt %add3A_45 : vector<128xf32>
    %broadcast_in_dim3A_46 = vector.shape_cast %sqrt3A : vector<128xf32> to vector<1x128xf32>
    %div3A_47 = vector.broadcast %broadcast_in_dim3A_46 : vector<1x128xf32> to vector<10000x128xf32>
    %div3A_48 = arith.divf %sub3A_42, %div3A_47 : vector<10000x128xf32>
    %broadcast_in_dim3A_49 = vector.shape_cast %get3A_27 : vector<128xf32> to vector<1x128xf32>
    %mul3A_50 = vector.broadcast %broadcast_in_dim3A_49 : vector<1x128xf32> to vector<10000x128xf32>
    %mul3A_51 = arith.mulf %div3A_48, %mul3A_50 : vector<10000x128xf32>
    %broadcast_in_dim3A_52 = vector.shape_cast %get3A_29 : vector<128xf32> to vector<1x128xf32>
    %add3A_53 = vector.broadcast %broadcast_in_dim3A_52 : vector<1x128xf32> to vector<10000x128xf32>
    %add3A_54 = arith.addf %mul3A_51, %add3A_53 : vector<10000x128xf32>
    %max3A = arith.constant 0.000000e+00 : f32
    %max3A_55 = vector.broadcast %max3A : f32 to vector<10000x128xf32>
    %max3A_56 = arith.maximumf %add3A_54, %max3A_55 : vector<10000x128xf32>
    %get3A_57 = arith.constant 0 : index
    %get3A_58 = arith.constant 0 : index
    %get3A_59 = vector.load %arg7[%get3A_57, %get3A_58] : memref<128x64xf32, #tpu.memory_space<vmem>>, vector<128x64xf32>
    %dot_general3A_60 = arith.constant dense<0.000000e+00> : vector<10000x64xf32>
    %dot_general3A_61 = tpu.matmul %max3A_56, %get3A_59, %dot_general3A_60 {dimension_numbers = #tpu.dot_dimension_numbers<[1], [0], [0], [1], [0, 0, 1, 1], [], []>, transpose_lhs_hint = false} : vector<10000x128xf32>, vector<128x64xf32>, vector<10000x64xf32> -> vector<10000x64xf32>
    %get3A_62 = arith.constant 0 : index
    %get3A_63 = vector.load %arg8[%get3A_62] : memref<64xf32, #tpu.memory_space<vmem>>, vector<64xf32>
    %broadcast_in_dim3A_64 = vector.shape_cast %get3A_63 : vector<64xf32> to vector<1x64xf32>
    %add3A_65 = vector.broadcast %broadcast_in_dim3A_64 : vector<1x64xf32> to vector<10000x64xf32>
    %add3A_66 = arith.addf %dot_general3A_61, %add3A_65 : vector<10000x64xf32>
    %get3A_67 = arith.constant 0 : index
    %get3A_68 = vector.load %arg9[%get3A_67] : memref<64xf32, #tpu.memory_space<vmem>>, vector<64xf32>
    %get3A_69 = arith.constant 0 : index
    %get3A_70 = vector.load %arg10[%get3A_69] : memref<64xf32, #tpu.memory_space<vmem>>, vector<64xf32>
    %reduce_sum3A_71 = arith.constant dense<0.000000e+00> : vector<64xf32>
    %reduce_sum3A_72 = vector.multi_reduction <add>, %add3A_66, %reduce_sum3A_71 [0] : vector<10000x64xf32> to vector<64xf32>
    %div3A_73 = arith.constant 1.000000e+04 : f32
    %div3A_74 = vector.broadcast %div3A_73 : f32 to vector<64xf32>
    %div3A_75 = arith.divf %reduce_sum3A_72, %div3A_74 : vector<64xf32>
    %broadcast_in_dim3A_76 = vector.shape_cast %div3A_75 : vector<64xf32> to vector<1x64xf32>
    %sub3A_77 = vector.broadcast %broadcast_in_dim3A_76 : vector<1x64xf32> to vector<10000x64xf32>
    %sub3A_78 = arith.subf %add3A_66, %sub3A_77 : vector<10000x64xf32>
    %integer_pow3A_79 = arith.mulf %sub3A_78, %sub3A_78 : vector<10000x64xf32>
    %reduce_sum3A_80 = arith.constant dense<0.000000e+00> : vector<64xf32>
    %reduce_sum3A_81 = vector.multi_reduction <add>, %integer_pow3A_79, %reduce_sum3A_80 [0] : vector<10000x64xf32> to vector<64xf32>
    %div3A_82 = arith.constant 1.000000e+04 : f32
    %div3A_83 = vector.broadcast %div3A_82 : f32 to vector<64xf32>
    %div3A_84 = arith.divf %reduce_sum3A_81, %div3A_83 : vector<64xf32>
    %broadcast_in_dim3A_85 = vector.shape_cast %div3A_75 : vector<64xf32> to vector<1x64xf32>
    %sub3A_86 = vector.broadcast %broadcast_in_dim3A_85 : vector<1x64xf32> to vector<10000x64xf32>
    %sub3A_87 = arith.subf %add3A_66, %sub3A_86 : vector<10000x64xf32>
    %add3A_88 = arith.constant 9.99999974E-6 : f32
    %add3A_89 = vector.broadcast %add3A_88 : f32 to vector<64xf32>
    %add3A_90 = arith.addf %div3A_84, %add3A_89 : vector<64xf32>
    %sqrt3A_91 = math.sqrt %add3A_90 : vector<64xf32>
    %broadcast_in_dim3A_92 = vector.shape_cast %sqrt3A_91 : vector<64xf32> to vector<1x64xf32>
    %div3A_93 = vector.broadcast %broadcast_in_dim3A_92 : vector<1x64xf32> to vector<10000x64xf32>
    %div3A_94 = arith.divf %sub3A_87, %div3A_93 : vector<10000x64xf32>
    %broadcast_in_dim3A_95 = vector.shape_cast %get3A_68 : vector<64xf32> to vector<1x64xf32>
    %mul3A_96 = vector.broadcast %broadcast_in_dim3A_95 : vector<1x64xf32> to vector<10000x64xf32>
    %mul3A_97 = arith.mulf %div3A_94, %mul3A_96 : vector<10000x64xf32>
    %broadcast_in_dim3A_98 = vector.shape_cast %get3A_70 : vector<64xf32> to vector<1x64xf32>
    %add3A_99 = vector.broadcast %broadcast_in_dim3A_98 : vector<1x64xf32> to vector<10000x64xf32>
    %add3A_100 = arith.addf %mul3A_97, %add3A_99 : vector<10000x64xf32>
    %max3A_101 = arith.constant 0.000000e+00 : f32
    %max3A_102 = vector.broadcast %max3A_101 : f32 to vector<10000x64xf32>
    %max3A_103 = arith.maximumf %add3A_100, %max3A_102 : vector<10000x64xf32>
    %swap3A = arith.constant 0 : index
    %swap3A_104 = arith.constant 0 : index
    %swap3A_105 = vector.load %arg15[%swap3A, %swap3A_104] : memref<10000x64xf32, #tpu.memory_space<vmem>>, vector<10000x64xf32>
    tpu.vector_store %arg15[%swap3A, %swap3A_104], %max3A_103 {strides = array<i32>} : memref<10000x64xf32, #tpu.memory_space<vmem>>, vector<10000x64xf32>,
    %get3A_106 = arith.constant 0 : index
    %get3A_107 = arith.constant 0 : index
    %get3A_108 = vector.load %arg11[%get3A_106, %get3A_107] : memref<128x64xf32, #tpu.memory_space<vmem>>, vector<128x64xf32>
    %dot_general3A_109 = arith.constant dense<0.000000e+00> : vector<10000x64xf32>
    %dot_general3A_110 = tpu.matmul %max3A_56, %get3A_108, %dot_general3A_109 {dimension_numbers = #tpu.dot_dimension_numbers<[1], [0], [0], [1], [0, 0, 1, 1], [], []>, transpose_lhs_hint = false} : vector<10000x128xf32>, vector<128x64xf32>, vector<10000x64xf32> -> vector<10000x64xf32>
    %get3A_111 = arith.constant 0 : index
    %get3A_112 = vector.load %arg12[%get3A_111] : memref<64xf32, #tpu.memory_space<vmem>>, vector<64xf32>
    %broadcast_in_dim3A_113 = vector.shape_cast %get3A_112 : vector<64xf32> to vector<1x64xf32>
    %add3A_114 = vector.broadcast %broadcast_in_dim3A_113 : vector<1x64xf32> to vector<10000x64xf32>
    %add3A_115 = arith.addf %dot_general3A_110, %add3A_114 : vector<10000x64xf32>
    %get3A_116 = arith.constant 0 : index
    %get3A_117 = vector.load %arg13[%get3A_116] : memref<64xf32, #tpu.memory_space<vmem>>, vector<64xf32>
    %get3A_118 = arith.constant 0 : index
    %get3A_119 = vector.load %arg14[%get3A_118] : memref<64xf32, #tpu.memory_space<vmem>>, vector<64xf32>
    %reduce_sum3A_120 = arith.constant dense<0.000000e+00> : vector<64xf32>
    %reduce_sum3A_121 = vector.multi_reduction <add>, %add3A_115, %reduce_sum3A_120 [0] : vector<10000x64xf32> to vector<64xf32>
    %div3A_122 = arith.constant 1.000000e+04 : f32
    %div3A_123 = vector.broadcast %div3A_122 : f32 to vector<64xf32>
    %div3A_124 = arith.divf %reduce_sum3A_121, %div3A_123 : vector<64xf32>
    %broadcast_in_dim3A_125 = vector.shape_cast %div3A_124 : vector<64xf32> to vector<1x64xf32>
    %sub3A_126 = vector.broadcast %broadcast_in_dim3A_125 : vector<1x64xf32> to vector<10000x64xf32>
    %sub3A_127 = arith.subf %add3A_115, %sub3A_126 : vector<10000x64xf32>
    %integer_pow3A_128 = arith.mulf %sub3A_127, %sub3A_127 : vector<10000x64xf32>
    %reduce_sum3A_129 = arith.constant dense<0.000000e+00> : vector<64xf32>
    %reduce_sum3A_130 = vector.multi_reduction <add>, %integer_pow3A_128, %reduce_sum3A_129 [0] : vector<10000x64xf32> to vector<64xf32>
    %div3A_131 = arith.constant 1.000000e+04 : f32
    %div3A_132 = vector.broadcast %div3A_131 : f32 to vector<64xf32>
    %div3A_133 = arith.divf %reduce_sum3A_130, %div3A_132 : vector<64xf32>
    %broadcast_in_dim3A_134 = vector.shape_cast %div3A_124 : vector<64xf32> to vector<1x64xf32>
    %sub3A_135 = vector.broadcast %broadcast_in_dim3A_134 : vector<1x64xf32> to vector<10000x64xf32>
    %sub3A_136 = arith.subf %add3A_115, %sub3A_135 : vector<10000x64xf32>
    %add3A_137 = arith.constant 9.99999974E-6 : f32
    %add3A_138 = vector.broadcast %add3A_137 : f32 to vector<64xf32>
    %add3A_139 = arith.addf %div3A_133, %add3A_138 : vector<64xf32>
    %sqrt3A_140 = math.sqrt %add3A_139 : vector<64xf32>
    %broadcast_in_dim3A_141 = vector.shape_cast %sqrt3A_140 : vector<64xf32> to vector<1x64xf32>
    %div3A_142 = vector.broadcast %broadcast_in_dim3A_141 : vector<1x64xf32> to vector<10000x64xf32>
    %div3A_143 = arith.divf %sub3A_136, %div3A_142 : vector<10000x64xf32>
    %broadcast_in_dim3A_144 = vector.shape_cast %get3A_117 : vector<64xf32> to vector<1x64xf32>
    %mul3A_145 = vector.broadcast %broadcast_in_dim3A_144 : vector<1x64xf32> to vector<10000x64xf32>
    %mul3A_146 = arith.mulf %div3A_143, %mul3A_145 : vector<10000x64xf32>
    %broadcast_in_dim3A_147 = vector.shape_cast %get3A_119 : vector<64xf32> to vector<1x64xf32>
    %add3A_148 = vector.broadcast %broadcast_in_dim3A_147 : vector<1x64xf32> to vector<10000x64xf32>
    %add3A_149 = arith.addf %mul3A_146, %add3A_148 : vector<10000x64xf32>
    %max3A_150 = arith.constant 0.000000e+00 : f32
    %max3A_151 = vector.broadcast %max3A_150 : f32 to vector<10000x64xf32>
    %max3A_152 = arith.maximumf %add3A_149, %max3A_151 : vector<10000x64xf32>
    %slice3A = vector.extract_strided_slice %max3A_152 {offsets = [0, 0], sizes = [10000, 32], strides = [1, 1]} : vector<10000x64xf32> to vector<10000x32xf32>
    %convert_element_type3A = arith.truncf %slice3A : vector<10000x32xf32> to vector<10000x32xbf16>
    %bitcast_convert_type3A = tpu.bitcast %convert_element_type3A : vector<10000x32xbf16> -> vector<10000x32xi16>
    %convert_element_type3A_153 = arith.extui %bitcast_convert_type3A : vector<10000x32xi16> to vector<10000x32xi32>
    %slice3A_154 = vector.extract_strided_slice %max3A_152 {offsets = [0, 32], sizes = [10000, 32], strides = [1, 1]} : vector<10000x64xf32> to vector<10000x32xf32>
    %convert_element_type3A_155 = arith.truncf %slice3A_154 : vector<10000x32xf32> to vector<10000x32xbf16>
    %bitcast_convert_type3A_156 = tpu.bitcast %convert_element_type3A_155 : vector<10000x32xbf16> -> vector<10000x32xi16>
    %convert_element_type3A_157 = arith.extui %bitcast_convert_type3A_156 : vector<10000x32xi16> to vector<10000x32xi32>
    %shift_left3A = arith.constant 16 : i32
    %shift_left3A_158 = vector.broadcast %shift_left3A : i32 to vector<10000x32xi32>
    %shift_left3A_159 = arith.shli %convert_element_type3A_157, %shift_left3A_158 : vector<10000x32xi32>
    %or3A = arith.ori %convert_element_type3A_153, %shift_left3A_159 : vector<10000x32xi32>
    %bitcast_convert_type3A_160 = tpu.bitcast %or3A : vector<10000x32xi32> -> vector<10000x32xi32>
    %swap3A_161 = arith.constant 0 : index
    %swap3A_162 = arith.constant 0 : index
    %swap3A_163 = vector.load %arg16[%swap3A_161, %swap3A_162] : memref<10112x32xi32, #tpu.memory_space<vmem>>, vector<10000x32xi32>
    tpu.vector_store %arg16[%swap3A_161, %swap3A_162], %bitcast_convert_type3A_160 {strides = array<i32>} : memref<10112x32xi32, #tpu.memory_space<vmem>>, vector<10000x32xi32>,
    %broadcast_in_dim3A_164 = arith.constant 0 : i32
    %broadcast_in_dim3A_165 = vector.broadcast %broadcast_in_dim3A_164 : i32 to vector<112x32xi32>
    %swap3A_166 = arith.constant 10000 : index
    %swap3A_167 = arith.constant 0 : index
    %swap3A_168 = vector.load %arg16[%swap3A_166, %swap3A_167] : memref<10112x32xi32, #tpu.memory_space<vmem>>, vector<112x32xi32>
    tpu.vector_store %arg16[%swap3A_166, %swap3A_167], %broadcast_in_dim3A_165 {strides = array<i32>} : memref<10112x32xi32, #tpu.memory_space<vmem>>, vector<112x32xi32>,
    return
  }
}

module attributes {stable_mosaic.version = 14 : i64} {
  func.func @_pool_kernel(%arg0: memref<10000x64xf32, #tpu.memory_space<vmem>>, %arg1: memref<10000x1xi32, #tpu.memory_space<vmem>>, %arg2: memref<64x64xf32, #tpu.memory_space<vmem>>) attributes {dimension_semantics = [], scalar_prefetch = 0 : i64, scratch_operands = 0 : i64, tpu.core_type = #tpu.core_type<tc>} {
    %get3A = arith.constant 0 : index
    %get3A_0 = arith.constant 0 : index
    %get3A_1 = vector.load %arg1[%get3A, %get3A_0] : memref<10000x1xi32, #tpu.memory_space<vmem>>, vector<10000x1xi32>
    %iota3A = tpu.iota {dimensions = array<i32: 1>} : vector<10000x64xi32>
    %eq3A = vector.broadcast %get3A_1 : vector<10000x1xi32> to vector<10000x64xi32>
    %eq3A_2 = arith.cmpi eq, %eq3A, %iota3A : vector<10000x64xi32>
    %convert_element_type3A = arith.extui %eq3A_2 : vector<10000x64xi1> to vector<10000x64xi32>
    %convert_element_type3A_3 = arith.sitofp %convert_element_type3A : vector<10000x64xi32> to vector<10000x64xf32>
    %get3A_4 = arith.constant 0 : index
    %get3A_5 = arith.constant 0 : index
    %get3A_6 = vector.load %arg0[%get3A_4, %get3A_5] : memref<10000x64xf32, #tpu.memory_space<vmem>>, vector<10000x64xf32>
    %dot_general3A = arith.constant dense<0.000000e+00> : vector<64x64xf32>
    %dot_general3A_7 = tpu.matmul %convert_element_type3A_3, %get3A_6, %dot_general3A {dimension_numbers = #tpu.dot_dimension_numbers<[0], [0], [1], [1], [0, 1, 1, 1], [], []>, transpose_lhs_hint = false} : vector<10000x64xf32>, vector<10000x64xf32>, vector<64x64xf32> -> vector<64x64xf32>
    %reduce_sum3A = arith.constant dense<0.000000e+00> : vector<64xf32>
    %reduce_sum3A_8 = vector.multi_reduction <add>, %convert_element_type3A_3, %reduce_sum3A [0] : vector<10000x64xf32> to vector<64xf32>
    %max3A = arith.constant 1.000000e+00 : f32
    %max3A_9 = vector.broadcast %max3A : f32 to vector<64xf32>
    %max3A_10 = arith.maximumf %reduce_sum3A_8, %max3A_9 : vector<64xf32>
    %broadcast_in_dim3A = vector.shape_cast %max3A_10 : vector<64xf32> to vector<64x1xf32>
    %div3A = vector.broadcast %broadcast_in_dim3A : vector<64x1xf32> to vector<64x64xf32>
    %div3A_11 = arith.divf %dot_general3A_7, %div3A : vector<64x64xf32>
    %swap3A = arith.constant 0 : index
    %swap3A_12 = arith.constant 0 : index
    %swap3A_13 = vector.load %arg2[%swap3A, %swap3A_12] : memref<64x64xf32, #tpu.memory_space<vmem>>, vector<64x64xf32>
    tpu.vector_store %arg2[%swap3A, %swap3A_12], %div3A_11 {strides = array<i32>} : memref<64x64xf32, #tpu.memory_space<vmem>>, vector<64x64xf32>,
    return
  }
}

</mosaic_0001>

<sc_bundles>
// kernel: closed_call.16.cloned.1.call-start
scs
__scs_entry_jumppad:
0x0: {  	(pc) =	sbr.rel $0x88, $3  }
0x1: {  	(tag) =	ssettag $0x0;
	lr =	simm.s32 $0x1  }
0x2: {  	[smem:$0x3F90] =	sst lr;
	_ =	strace $0xD0000000  }
0x3: {  	_ = 	snop  }
0x4: {  	_ = 	snop  }
0x5: {  	_ = 	snop  }
0x6: {  	_ = 	snop  }
0x7: {  	_ = 	snop  }
__scs_overlays_trampoline_lowered:
0x8: {  	[smem:$0x3F9F] =	sst s0  }
0x9: {  	[smem:$0x3FA0] =	sst s1  }
0xa: {  	[smem:$0x3FA1] =	sst s2  }
0xb: {  	[smem:$0x3FA2] =	sst s3  }
0xc: {  	[smem:$0x3FA3] =	sst s4  }
0xd: {  	[smem:$0x3FA4] =	sst s5  }
0xe: {  	[smem:$0x3FA5] =	sst s6  }
0xf: {  	[smem:$0x3FA6] =	sst s7  }
0x10: {  	[smem:$0x3FA7] =	sst s8  }
0x11: {  	[smem:$0x3FA8] =	sst s9;
	s0 =	simm.s32 @!p0 $0x0  }
0x12: {  	s1 =	sld [smem:$0x3F8E];
	s0 =	simm.s32 @p0 $0x1  }
0x13: {  	[smem:$0x3FA9] =	sst s0;
	s0 =	simm.s32 @!p1 $0x0  }
0x14: {  	s2 =	sld [smem:$0x3F8D];
	s0 =	simm.s32 @p1 $0x1  }
0x15: {  	[smem:$0x3FAA] =	sst s0;
	s0 =	simm.s32 @!p2 $0x0  }
0x16: {  	s3 =	sld [smem:$0x3FDB];
	s0 =	simm.s32 @p2 $0x1  }
0x17: {  	s4 =	simm.s32 $0x1BF5;
	[smem:$0x3FAC] =	sst s0  }
0x18: {  	s0 =	sld [smem:$0x3F8F];
	_ =	swait.ge [sflag:s4], $0x0  }
0x19: {  	s7 =	sld [smem:$0x3F90]  }
0x1a: {  	s8 =	sadd.s32 $0xFFFFE003, lr  }
0x1b: {  	s9 =	sadd.s32 $0xFFFFFEF7, lr;
	s5 =	simm.s32 $0xFFFFFFFF;
	p2 =	slt.u32 s8, $0xFFFFF086  }
0x1c: {  	p1 =	slt.u32 s9, $0xF7A;
	s5 =	simm.s32 @!p2 $0x0  }
0x1d: {  	s5 =	simm.s32 @p1 $0x1;
	p0 =	seq.s32 s7, s2  }
0x1e: {  	s7 =	smul.u32 @!p0 $0xF7A, s2;
	p2 =	seq.s32 @!p0 s5, $0x0  }
0x1f: {  	s9 =	smul.u32 $0xF7A, s1;
	s8 =	simm.s32 @!p0 $0x1BF5;
	p2 =	por !p2, p0  }
0x20: {  	[sflag:s8] =	ssyncset.s32 @!p0 $0xFFFFF086;
	s6 =	sadd.s32 @!p0 s3, s7;
	s7 =	simm.s32 @!p0 $0x108  }
0x21: {  	s3 =	sadd.s32 s3, s9;
	s6 =	sadd.s32 @!p0 $0x88, s6;
	s7 =	simm.s32 @p2 $0x1082  }
0x22: {  	[simem:s7], [sflag:s8] =	dma.local @!p0 [hbm:s6], $0xF7A  }
0x23: {  	s9 =	sor.u32 $0xD0000000, s2;
	s6 =	simm.s32 $0x108;
	_ =	swait.ge @!p0 [sflag:s8], $0x0  }
0x24: {  	s3 =	sadd.s32 $0x88, s3;
	s6 =	simm.s32 @!p1 $0x1082;
	[sflag:s4] =	ssyncset.s32 $0xFFFFF086  }
0x25: {  	[simem:s6], [sflag:s4] =	dma.local [hbm:s3], $0xF7A  }
0x26: {  	[smem:$0x3F90] =	sst s1;
	(tag) =	ssettag s2;
	_ =	strace s9  }
0x27: {  	s1 =	sld [smem:$0x3FA0]  }
0x28: {  	s2 =	sld [smem:$0x3FA1]  }
0x29: {  	s4 =	sld [smem:$0x3FA3]  }
0x2a: {  	p0 =	seq.s32 s5, $0x0;
	s5 =	sld [smem:$0x3FA4]  }
0x2b: {  	s6 =	sld [smem:$0x3FA5]  }
0x2c: {  	s7 =	sld [smem:$0x3FA6]  }
0x2d: {  	s3 =	simm.s32 $0x108;
	s8 =	sld [smem:$0x3FA7]  }
0x2e: {  	s3 =	simm.s32 @!p0 $0x1082;
	s9 =	sld [smem:$0x3FA8]  }
0x2f: {  	lr =	sadd.s32 s0, s3;
	s0 =	sld [smem:$0x3F9F]  }
0x30: {  	s3 =	sld [smem:$0x3FA2]  }
0x31: {  	[smem:$0x3FAB] =	sst s10  }
0x32: {  	s10 =	sld [smem:$0x3FA9];
	_ =	sdelay $0x3  }
0x33: {  	p0 =	seq.s32 s10, $0x1;
	s10 =	sld [smem:$0x3FAB];
	_ =	sdelay $0x3  }
0x34: {  	[smem:$0x3FAB] =	sst s10  }
0x35: {  	s10 =	sld [smem:$0x3FAA];
	_ =	sdelay $0x3  }
0x36: {  	p1 =	seq.s32 s10, $0x1;
	s10 =	sld [smem:$0x3FAB];
	_ =	sdelay $0x3  }
0x37: {  	[smem:$0x3FAB] =	sst s10  }
0x38: {  	s10 =	sld [smem:$0x3FAC]  }
0x39: {  	_ = 	snop;
	(pc) =	sbr.ind lr, $3  }
0x3a: {  	_ = 	snop  }
0x3b: {  	_ = 	snop  }
0x3c: {  	p2 =	seq.s32 s10, $0x1;
	s10 =	sld [smem:$0x3FAB]  }
0x3d: {  	_ =	shalt  }
0x3e: {  	_ =	shalt  }
0x3f: {  	_ =	shalt  }
0x40: {  	_ =	shalt  }
0x41: {  	_ =	shalt  }
0x42: {  	_ =	shalt  }
0x43: {  	_ =	shalt  }
0x44: {  	_ =	shalt  }
0x45: {  	_ =	shalt  }
0x46: {  	_ =	shalt  }
0x47: {  	_ =	shalt  }
0x48: {  	_ =	shalt  }
0x49: {  	_ =	shalt  }
0x4a: {  	_ =	shalt  }
0x4b: {  	_ =	shalt  }
0x4c: {  	_ =	shalt  }
0x4d: {  	_ =	shalt  }
0x4e: {  	_ =	shalt  }
0x4f: {  	_ =	shalt  }
0x50: {  	_ =	shalt  }
0x51: {  	_ =	shalt  }
0x52: {  	_ =	shalt  }
0x53: {  	_ =	shalt  }
0x54: {  	_ =	shalt  }
0x55: {  	_ =	shalt  }
0x56: {  	_ =	shalt  }
0x57: {  	_ =	shalt  }
0x58: {  	_ =	shalt  }
0x59: {  	_ =	shalt  }
0x5a: {  	_ =	shalt  }
0x5b: {  	_ =	shalt  }
0x5c: {  	_ =	shalt  }
0x5d: {  	_ =	shalt  }
0x5e: {  	_ =	shalt  }
0x5f: {  	_ =	shalt  }
0x60: {  	_ =	shalt  }
0x61: {  	_ =	shalt  }
0x62: {  	_ =	shalt  }
0x63: {  	_ =	shalt  }
0x64: {  	_ =	shalt  }
0x65: {  	_ =	shalt  }
0x66: {  	_ =	shalt  }
0x67: {  	_ =	shalt  }
0x68: {  	_ =	shalt  }
0x69: {  	_ =	shalt  }
0x6a: {  	_ =	shalt  }
0x6b: {  	_ =	shalt  }
0x6c: {  	_ =	shalt  }
0x6d: {  	_ =	shalt  }
0x6e: {  	_ =	shalt  }
0x6f: {  	_ =	shalt  }
0x70: {  	_ =	shalt  }
0x71: {  	_ =	shalt  }
0x72: {  	_ =	shalt  }
0x73: {  	_ =	shalt  }
0x74: {  	_ =	shalt  }
0x75: {  	_ =	shalt  }
0x76: {  	_ =	shalt  }
0x77: {  	_ =	shalt  }
0x78: {  	_ =	shalt  }
0x79: {  	_ =	shalt  }
0x7a: {  	_ =	shalt  }
0x7b: {  	_ =	shalt  }
0x7c: {  	_ =	shalt  }
0x7d: {  	_ =	shalt  }
0x7e: {  	_ =	shalt  }
0x7f: {  	_ =	shalt  }
0x80: {  	_ =	shalt  }
0x81: {  	_ =	shalt  }
0x82: {  	_ =	shalt  }
0x83: {  	_ =	shalt  }
0x84: {  	_ =	shalt  }
0x85: {  	_ =	shalt  }
0x86: {  	_ =	shalt  }
0x87: {  	_ =	shalt  }
.Lfunc_end0:
.L_simem_size_0:
called_computation_lowered:
.L_overlay_start_0:
0x88: {  	s2 =	sld [smem:$0x3FD9]  }
0x89: {  	s3 =	sld [smem:$0x3FFE];
	_ =	sdelay $0x1  }
0x8a: {  	s1 =	srdreg.scid  }
0x8b: {  	s0 =	sand.u32 $0x1, s1  }
0x8c: {  	s16 =	sshll.u32 s0, $0xA;
	s2 =	sadd.s32 s3, s2  }
0x8d: {  	s2 =	sadd.s32 s2, s16  }
0x8e: {  	[smem:$0x3FB7] =	sst s2  }
0x8f: {  	_ = 	snop  }
0x90: {  	(tm) =	ssettm $0x1  }
0x91: {  	s17 =	sld [smem:$0x3FFB];
	_ =	sdelay $0x3  }
0x92: {  	_ =	strace s17  }
0x93: {  	s2 =	sld [smem:$0x3FFC];
	_ =	sdelay $0x3  }
0x94: {  	_ =	strace s2  }
0x95: {  	s2 =	sld [smem:$0x3FFD];
	_ =	sdelay $0x3  }
0x96: {  	_ =	strace s2  }
0x97: {  	_ =	strace $0x8FFFFFFF  }
0x98: {  	s18 =	sld [smem:$0x3FDB];
	_ =	sdelay $0x1  }
0x99: {  	s19 =	simm.s32 $_scs_section_size  }
0x9a: {  	s4 =	simm.s32 $_size__tile_overlayer_lowered;
	s5 =	simm.s32 $_tile_overlayer_lowered  }
0x9b: {  	s22 =	simm.s32 $0x1BFF;
	s21 =	sshll.u32 s5, $0x1;
	s2 =	sadd.s32 s19, s18  }
0x9c: {  	s6 =	simm.s32 $0x0;
	s20 =	sshll.u32 s4, $0x1;
	s4 =	sadd.s32 s21, s2  }
0x9d: {  	[timem:s6], [sflag:s22] =	dma.local [hbm:s4], s20  }
0x9e: {  	_ =	swait.ge [sflag:s22], s20  }
0x9f: {  	s3 =	ssub.s32 $0x0, s20;
	[sflag:s22] =	ssyncset.done $0x0  }
0xa0: {  	[sflag:s22] =	ssyncadd.s32 s3;
	_ =	sdelay $0x1  }
0xa1: {  	s23 =	simm.s32 $0x1B8B  }
0xa2: {  	_ =	swait.ge [sflag:s23], $0x1  }
0xa3: {  	[sflag:s23] =	ssyncset.done $0x0  }
0xa4: {  	s25 =	simm.s32 $0x1B8E;
	s24 =	sld [smem:$0x3FFE];
	[sflag:s23] =	ssyncadd.s32 $0xFFFFFFFF  }
0xa5: {  	s26 =	simm.s32 $execute0_lowered;
	[smem:$0x3FD2] =	sst s25  }
0xa6: {  	s4 =	sshll.u32 s26, $0x1;
	_ =	strace $0x80000046;
	[dreg:$0x1] =	wrdreg $0xFFFFFFFF  }
0xa7: {  	s28 =	simm.s32 $_size_execute0_lowered;
	s2 =	sadd.s32 s2, s4;
	[dreg:$0x0] =	wrdreg $0x0  }
0xa8: {  	s4 =	sshll.u32 s28, $0x1;
	[dreg:$0x2] =	wrdreg s2  }
0xa9: {  	[dreg:$0x3] =	wrdreg s4  }
0xaa: {  	[dreg:$0x4] =	wrdreg $0xC0  }
0xab: {  	_ =	task [dreg:s6], $0x5FFFF  }
0xac: {  	[dreg:$0x1] =	wrdreg $0xFFFFFFFF  }
0xad: {  	[dreg:$0x0] =	wrdreg $0x60  }
0xae: {  	[dreg:$0x2] =	wrdreg s24  }
0xaf: {  	[dreg:$0x3] =	wrdreg $0x150800  }
0xb0: {  	[dreg:$0x4] =	wrdreg $0x9  }
0xb1: {  	_ =	task.clear_ibuf [dreg:s6], $0x5FFFF;
	_ =	strace $0x90000046  }
0xb2: {  	s29 =	simm.s32 $0x9;
	_ =	strace $0x80000048  }
0xb3: {  	_ =	swait.ge [sflag:s29], $0x1  }
0xb4: {  	[sflag:s29] =	ssyncadd.s32 $0xFFFFFFFF  }
0xb5: {  	_ =	strace $0x90000048  }
0xb6: {  	_ =	sfence  }
0xb7: {  	s30 =	sld [smem:$0x0];
	_ =	sdelay $0x2  }
0xb8: {  	s31 =	sshll.u32 s1, $0xD;
	s1 =	sshrl.u32 s1, $0x2  }
0xb9: {  	s3 =	sand.u32 $0x4000, s31;
	s1 =	sadd.s32 s1, s30  }
0xba: {  	s0 =	sor.u32 s3, s0;
	s1 =	sshll.u32 s1, $0x11  }
0xbb: {  	s0 =	sor.u32 s1, s0  }
0xbc: {  	s0 =	sadd.s32 $0x8F2B, s0  }
0xbd: {  	[sflag:s0] =	ssyncadd.remote.s32 $0x1  }
0xbe: {  	_ =	sfence.sel $0xFFFF  }
0xbf: {  	[dreg:$0x0] =	wrdreg $0xFFFFFFFF;
	(pc) =	sbr.abs _section_cstart, $3  }
0xc0: {  	[dreg:$0x1] =	wrdreg $0xFFFFFFFF  }
0xc1: {  	_ =	task.clear_ibuf [dreg:s6], $0x2FFFF;
	_ =	strace $0x9FFFFFFF  }
0xc2: {  	(tm) =	ssettm $0x7FFFFFFF  }
0xc3: {  	_ =	shalt  }
tec
execute0_lowered:
.L_overlay_start_1:
0x0: {  	(tag) =	ssettag $0x1  }
0x1: {  	s0 =	rddreg [dreg:$0x0];
	s1 =	srdreg.scid  }
0x2: {  	s10 =	stileid.u32;
	s2 =	rddreg [dreg:$0x1]  }
0x3: {  	s3 =	simm.s32 $0x0;
	s28 =	simm.s32 $0x5080;
	s29 =	simm.s32 $0x6080  }
0x4: {  	s30 =	simm.s32 $0x9080;
	s31 =	simm.s32 $0x1;
	s1 =	sand.u32 $0x1, s1  }
0x5: {  	s4 =	sshll.u32 s10, $0x1;
	[smem:$0x7FF] =	sst s3;
	s10 =	smul.u32 $0x9E00, s10  }
0x6: {  	s6 =	sor.u32 s1, s4;
	s7 =	ssub.s32 $0x2, s1;
	s1 =	smul.u32 $0x9E000, s1  }
0x7: {  	_ =	strace $0x80000047;
	s4 =	sadd.s32 $0x66800, s0;
	s5 =	smul.u32 $0x500, s6  }
0x8: {  	s9 =	sshrl.u32 s7, $0x1;
	s15 =	sadd.s32 $0x2000, s10;
	s18 =	sadd.s32 s10, s2  }
0x9: {  	s16 =	sadd.s32 $0x4000, s10;
	s11 =	sadd.s32 $0x6000, s10;
	s17 =	sadd.s32 $0x8000, s10  }
0xa: {  	s13 =	smul.u32 $0xA000, s6;
	s7 =	ssub.s32 s7, s9;
	s19 =	sadd.s32 s15, s2  }
0xb: {  	s20 =	sadd.s32 s16, s2;
	s12 =	sadd.s32 s11, s2;
	s10 =	sadd.s32 s10, s1  }
0xc: {  	s23 =	sadd.s32 s1, s16;
	s24 =	sadd.s32 s1, s11;
	[dreg:$0x5] =	wrdreg s18  }
0xd: {  	s16 =	simm.s32 $0x11080;
	s8 =	sadd.s32 s5, s0;
	[dreg:$0x8] =	wrdreg s12  }
0xe: {  	s5 =	sadd.s32 $0x70600, s0;
	s0 =	sadd.s32 $0x1B0600, s0;
	[dreg:$0x6] =	wrdreg s19  }
0xf: {  	s10 =	sshrl.u32 s10, $0x3;
	s26 =	smax.u32 s7, $0x1;
	[dreg:$0x7] =	wrdreg s20  }
0x10: {  	s7 =	simm.s32 $0xB080;
	s14 =	sadd.s32 $0x5C800, s8;
	[dreg:$0x10] =	wrdreg s26  }
0x11: {  	s8 =	sadd.s32 $0x52800, s8;
	s13 =	sadd.s32 s5, s13;
	[dreg:$0x3] =	wrdreg s14  }
0x12: {  	s21 =	sadd.s32 s0, s10;
	s26 =	simm.s32 $0xF080;
	[dreg:$0x4] =	wrdreg s8  }
0x13: {  	s14 =	sadd.s32 s17, s2;
	s8 =	sadd.s32 s1, s15;
	[dreg:$0xa] =	wrdreg s13  }
0x14: {  	[dreg:$0xb] =	wrdreg s21;
	s1 =	sadd.s32 s1, s17;
	s21 =	simm.s32 $0x6  }
0x15: {  	s13 =	simm.s32 $0x2;
	s15 =	simm.s32 $0x4;
	s17 =	simm.s32 $0x0  }
0x16: {  	[dreg:$0x9] =	wrdreg s14;
	s8 =	sshrl.u32 s8, $0x3;
	s14 =	smul.u32 $0x50000, s6  }
0x17: {  	s6 =	sshrl.u32 s23, $0x3;
	s1 =	sshrl.u32 s1, $0x3;
	s22 =	sadd.s32 s0, s8  }
0x18: {  	s23 =	simm.s32 $0xD080;
	s6 =	sadd.s32 s0, s6;
	[dreg:$0xc] =	wrdreg s22  }
0x19: {  	s8 =	sshrl.u32 s24, $0x3;
	s24 =	simm.s32 $0x80;
	[dreg:$0xd] =	wrdreg s6  }
0x1a: {  	s25 =	sadd.s32 s0, s8;
	s0 =	sadd.s32 s0, s1;
	s1 =	simm.s32 $0x3  }
0x1b: {  	s22 =	simm.s32 $0x7080;
	s6 =	simm.s32 $0x8080;
	[dreg:$0xe] =	wrdreg s25  }
0x1c: {  	v0 =	vimm.f32 $0.0e+00;
	v1 =	vimm.s32 $0x2710;
	v2 =	vimm.bf16 $0.0e+00;
	[dreg:$0xf] =	wrdreg s0;
	s0 =	simm.s32 $0x5;
	s25 =	simm.s32 $0x13080  }
.LBB2_1:
0x1d: {  	s8 =	rddreg [dreg:$0x3]  }
0x1e: {  	[tilespmem:s3], [sflag:$0x6] =	stream.linear.gather [hbm4b:s8+s3], $0x2800, $0x38;
	[tilespmem:$0x1EE80] =	vst v63  }
0x1f: {  	_ =	swait.ge [sflag:s21], $0x2800  }
0x20: {  	[sflag:s21] =	ssyncset.done $0x0  }
0x21: {  	s9 =	simm.s32 $0x2800;
	s12 =	rddreg [dreg:$0x4];
	[sflag:s21] =	ssyncadd.s32 $0xFFFFD800  }
0x22: {  	[tilespmem:s9], [sflag:$0x6] =	stream.linear.gather [hbm4b:s12+s3], $0x2800, $0x38;
	[tilespmem:$0x1EE80] =	vst v63  }
0x23: {  	_ =	swait.ge [sflag:s21], $0x2800  }
0x24: {  	[sflag:s21] =	ssyncset.done $0x0  }
0x25: {  	s8 =	simm.s32 $0xD100;
	[sflag:s21] =	ssyncadd.s32 $0xFFFFD800  }
0x26: {  	[tilespmem:s8+$0xFFFFFF80] =	vst v0  }
0x27: {  	[tilespmem:s8+$0x70] =	vst v0  }
0x28: {  	[tilespmem:s8+$0x60] =	vst v0  }
0x29: {  	[tilespmem:s8+$0x50] =	vst v0  }
0x2a: {  	[tilespmem:s8+$0x40] =	vst v0  }
0x2b: {  	[tilespmem:s8+$0x30] =	vst v0  }
0x2c: {  	[tilespmem:s8+$0x20] =	vst v0  }
0x2d: {  	[tilespmem:s8+$0x10] =	vst v0  }
0x2e: {  	[tilespmem:s8+$0x0] =	vst v0  }
0x2f: {  	[tilespmem:s8+$0xFFFFFFF0] =	vst v0  }
0x30: {  	[tilespmem:s8+$0xFFFFFFE0] =	vst v0  }
0x31: {  	[tilespmem:s8+$0xFFFFFFD0] =	vst v0  }
0x32: {  	[tilespmem:s8+$0xFFFFFFC0] =	vst v0  }
0x33: {  	[tilespmem:s8+$0xFFFFFFB0] =	vst v0  }
0x34: {  	s9 =	simm.s32 $0x0;
	[tilespmem:s8+$0xFFFFFFA0] =	vst v0  }
.LBB2_2:
0x35: {  	s9 =	sadd.s32 $0x4, s9;
	[tilespmem:s8+$0xFFFFFF90] =	vst v0;
	s8 =	sadd.s32 $0x100, s8  }
0x36: {  	[tilespmem:s8+$0xFFFFFF80] =	vst v0;
	p0 =	slt.u32 s9, $0x7C  }
0x37: {  	[tilespmem:s8+$0x70] =	vst v0  }
0x38: {  	[tilespmem:s8+$0x60] =	vst v0  }
0x39: {  	[tilespmem:s8+$0x50] =	vst v0  }
0x3a: {  	[tilespmem:s8+$0x40] =	vst v0  }
0x3b: {  	[tilespmem:s8+$0x30] =	vst v0  }
0x3c: {  	[tilespmem:s8+$0x20] =	vst v0  }
0x3d: {  	[tilespmem:s8+$0x10] =	vst v0  }
0x3e: {  	[tilespmem:s8+$0x0] =	vst v0  }
0x3f: {  	[tilespmem:s8+$0xFFFFFFF0] =	vst v0  }
.Ltmp0:
0x40: {  	[tilespmem:s8+$0xFFFFFFE0] =	vst v0;
	(pc) =	sbr.rel @p0 .LBB2_2-.Ltmp0, $4  }
0x41: {  	[tilespmem:s8+$0xFFFFFFD0] =	vst v0  }
0x42: {  	[tilespmem:s8+$0xFFFFFFC0] =	vst v0  }
0x43: {  	[tilespmem:s8+$0xFFFFFFB0] =	vst v0  }
0x44: {  	[tilespmem:s8+$0xFFFFFFA0] =	vst v0  }
0x45: {  	[tilespmem:s8+$0xFFFFFF90] =	vst v0  }
0x46: {  	[spmem:s18] =	stream.linear.scatter [tilespmem:s23], [sflag:$0x6], $0x2000, $0x38;
	[tilespmem:$0x1EE80] =	vst v63  }
0x47: {  	_ =	swait.ge [sflag:s21], $0x2000  }
0x48: {  	[sflag:s21] =	ssyncset.done $0x0  }
0x49: {  	[sflag:s21] =	ssyncadd.s32 $0xFFFFE000  }
0x4a: {  	[spmem:s19] =	stream.linear.scatter [tilespmem:s23], [sflag:$0x6], $0x2000, $0x38;
	[tilespmem:$0x1EE80] =	vst v63  }
0x4b: {  	_ =	swait.ge [sflag:s21], $0x2000  }
0x4c: {  	[sflag:s21] =	ssyncset.done $0x0  }
0x4d: {  	[sflag:s21] =	ssyncadd.s32 $0xFFFFE000  }
0x4e: {  	[spmem:s20] =	stream.linear.scatter [tilespmem:s23], [sflag:$0x6], $0x2000, $0x38;
	[tilespmem:$0x1EE80] =	vst v63  }
0x4f: {  	_ =	swait.ge [sflag:s21], $0x2000  }
0x50: {  	[sflag:s21] =	ssyncset.done $0x0  }
0x51: {  	s12 =	rddreg [dreg:$0x8];
	[sflag:s21] =	ssyncadd.s32 $0xFFFFE000  }
0x52: {  	[spmem:s12] =	stream.linear.scatter [tilespmem:s23], [sflag:$0x6], $0x2000, $0x38;
	[tilespmem:$0x1EE80] =	vst v63  }
0x53: {  	_ =	swait.ge [sflag:s21], $0x2000  }
0x54: {  	[sflag:s21] =	ssyncset.done $0x0  }
0x55: {  	s18 =	rddreg [dreg:$0x9];
	[sflag:s21] =	ssyncadd.s32 $0xFFFFE000  }
0x56: {  	[spmem:s18] =	stream.linear.scatter [tilespmem:s23], [sflag:$0x6], $0x1E00, $0x38;
	[tilespmem:$0x1EE80] =	vst v63  }
0x57: {  	_ =	swait.ge [sflag:s21], $0x1E00  }
0x58: {  	[sflag:s21] =	ssyncset.done $0x0  }
0x59: {  	[sflag:s21] =	ssyncadd.s32 $0xFFFFE200  }
0x5a: {  	[tilespmem:$0x5000] =	vst v1  }
0x5b: {  	[tilespmem:$0x5010] =	vst v1  }
0x5c: {  	[tilespmem:$0x5020] =	vst v1  }
0x5d: {  	[tilespmem:$0x5030] =	vst v1  }
0x5e: {  	[tilespmem:$0x5040] =	vst v1  }
0x5f: {  	[tilespmem:$0x5050] =	vst v1  }
0x60: {  	[tilespmem:$0x5060] =	vst v1  }
0x61: {  	[tilespmem:$0x5070] =	vst v1  }
0x62: {  	s19 =	simm.s32 $0x5000;
	[bflag:$0x0] =	sbarrier.arrive $0xFFFF  }
0x63: {  	[spmem:s2] =	stream.indirect.scatter.add.f32 [tilespmem:s23], [sflag:$0x5], $0x40, s19, s24, $0xb8;
	[tilespmem:$0x1EE80] =	vst v63  }
0x64: {  	_ = 	snop  }
0x65: {  	[spmem:s2] =	stream.indirect.scatter.add.f32 [tilespmem:s26], [sflag:$0x5], $0x40, s19, s24, $0xb8;
	[tilespmem:$0x1EE80] =	vst v63  }
0x66: {  	s18 =	simm.s32 $0x0  }
0x67: {  	[tilespmem:s28], [sflag:$0x1] =	stream.indirect.gather [hbm4b:s4+s24], $0x20, s18, s24, $0xb8;
	[tilespmem:$0x1EE80] =	vst v63  }
0x68: {  	_ = 	snop  }
0x69: {  	[tilespmem:s29], [sflag:$0x1] =	stream.indirect.gather [hbm4b:s4+s24], $0x20, s24, s24, $0xb8;
	[tilespmem:$0x1EE80] =	vst v63  }
0x6a: {  	s20 =	rddreg [dreg:$0xa]  }
0x6b: {  	[tilespmem:s30], [sflag:$0x3] =	stream.linear.gather [hbm4b:s20+s18], $0x2000, $0x38;
	[tilespmem:$0x1EE80] =	vst v63  }
.LBB2_4:
0x6c: {  	_ =	swait.ge [sflag:s31], $0x1000  }
0x6d: {  	[sflag:s31] =	ssyncset.done $0x0  }
0x6e: {  	[sflag:s31] =	ssyncadd.s32 $0xFFFFF000  }
0x6f: {  	_ =	swait.ge [sflag:s31], $0x1000  }
0x70: {  	[sflag:s31] =	ssyncset.done $0x0  }
0x71: {  	[sflag:s31] =	ssyncadd.s32 $0xFFFFF000  }
0x72: {  	_ =	swait.ge [sflag:s1], $0x2000  }
0x73: {  	[sflag:s1] =	ssyncset.done $0x0  }
0x74: {  	[sflag:s1] =	ssyncadd.s32 $0xFFFFE000  }
0x75: {  	_ =	swait.ge [sflag:s0], $0x2000  }
0x76: {  	[sflag:s0] =	ssyncset.done $0x0  }
0x77: {  	[sflag:s0] =	ssyncadd.s32 $0xFFFFE000  }
0x78: {  	s8 =	sshllo.u32 s18, $0x1;
	_ =	swait.ge [sflag:s0], $0x2000  }
0x79: {  	s9 =	sshll.u32 s8, $0xA;
	s8 =	sshll.u32 s8, $0xD;
	[sflag:s0] =	ssyncset.done $0x0  }
0x7a: {  	s19 =	sshrl.u32 s9, $0x2;
	s8 =	sadd.s32 s14, s8;
	[sflag:s0] =	ssyncadd.s32 $0xFFFFE000  }
0x7b: {  	[tilespmem:s22], [sflag:$0x2] =	stream.indirect.gather [hbm4b:s4+s24], $0x20, s19, s24, $0xb8;
	[tilespmem:$0x1EE80] =	vst v63  }
0x7c: {  	s9 =	sor.u32 $0x80, s19;
	s8 =	sshrl.u32 s8, $0x3  }
0x7d: {  	[tilespmem:s6], [sflag:$0x2] =	stream.indirect.gather [hbm4b:s4+s24], $0x20, s9, s24, $0xb8;
	[tilespmem:$0x1EE80] =	vst v63  }
0x7e: {  	s8 =	sadd.s32 s5, s8  }
0x7f: {  	[tilespmem:s7], [sflag:$0x4] =	stream.linear.gather [hbm4b:s8+s3], $0x2000, $0x38;
	[tilespmem:$0x1EE80] =	vst v63  }
0x80: {  	s8 =	simm.s32 $0x50A0  }
0x81: {  	s9 =	simm.s32 $0x90A0;
	v3 =	vld [tilespmem:s8+$0xFFFFFFE0]  }
0x82: {  	v4 =	vld [tilespmem:s9+$0xFFFFFFE0];
	_ =	sdelay $0x4  }
0x83: {  	v3 =	vadd.bf16 v4, v3;
	_ =	sdelay $0x1  }
0x84: {  	v3 =	vmax.bf16 v3, v2  }
0x85: {  	s20 =	simm.s32 $0xD0C0;
	v4 =	vunpack.i.l.bf16.f32 v3  }
0x86: {  	v3 =	vunpack.i.u.bf16.f32 v3;
	[tilespmem:s20+$0xFFFFFFC0] =	vst v4  }
0x87: {  	[tilespmem:s20+$0xFFFFFFD0] =	vst v3  }
0x88: {  	v3 =	vld [tilespmem:s8+$0xFFFFFFF0]  }
0x89: {  	v4 =	vld [tilespmem:s9+$0xFFFFFFF0];
	_ =	sdelay $0x4  }
0x8a: {  	v3 =	vadd.bf16 v4, v3;
	_ =	sdelay $0x1  }
0x8b: {  	v3 =	vmax.bf16 v3, v2  }
0x8c: {  	v4 =	vunpack.i.l.bf16.f32 v3  }
0x8d: {  	v3 =	vunpack.i.u.bf16.f32 v3;
	[tilespmem:s20+$0xFFFFFFE0] =	vst v4  }
0x8e: {  	[tilespmem:s20+$0xFFFFFFF0] =	vst v3  }
0x8f: {  	v3 =	vld [tilespmem:s8+$0x0]  }
0x90: {  	v4 =	vld [tilespmem:s9+$0x0];
	_ =	sdelay $0x4  }
0x91: {  	v3 =	vadd.bf16 v4, v3;
	_ =	sdelay $0x1  }
0x92: {  	v3 =	vmax.bf16 v3, v2  }
0x93: {  	v4 =	vunpack.i.l.bf16.f32 v3  }
0x94: {  	v3 =	vunpack.i.u.bf16.f32 v3;
	[tilespmem:s20+$0x0] =	vst v4  }
0x95: {  	[tilespmem:s20+$0x10] =	vst v3  }
0x96: {  	v3 =	vld [tilespmem:s8+$0x10]  }
0x97: {  	v4 =	vld [tilespmem:s9+$0x10];
	_ =	sdelay $0x1  }
0x98: {  	s10 =	sshll.u32 s18, $0x1;
	s11 =	simm.s32 $0x0;
	s12 =	simm.s32 $0xD140  }
.LBB2_5:
0x99: {  	s11 =	sadd.s32 $0x2, s11;
	s9 =	sadd.s32 $0x40, s9;
	s8 =	sadd.s32 $0x40, s8  }
0x9a: {  	p0 =	slt.u32 s11, $0xFE  }
0x9b: {  	v3 =	vadd.bf16 v4, v3;
	_ =	sdelay $0x1  }
0x9c: {  	v3 =	vmax.bf16 v3, v2  }
0x9d: {  	v4 =	vunpack.i.u.bf16.f32 v3;
	v3 =	vunpack.i.l.bf16.f32 v3  }
0x9e: {  	[tilespmem:s20+$0x20] =	vst v3  }
0x9f: {  	[tilespmem:s20+$0x30] =	vst v4;
	s20 =	smov.u32 s12  }
0xa0: {  	v3 =	vld [tilespmem:s8+$0xFFFFFFE0]  }
0xa1: {  	v4 =	vld [tilespmem:s9+$0xFFFFFFE0];
	_ =	sdelay $0x4  }
0xa2: {  	v3 =	vadd.bf16 v4, v3;
	_ =	sdelay $0x1  }
0xa3: {  	v3 =	vmax.bf16 v3, v2  }
0xa4: {  	v4 =	vunpack.i.u.bf16.f32 v3;
	v3 =	vunpack.i.l.bf16.f32 v3  }
0xa5: {  	[tilespmem:s12+$0xFFFFFFC0] =	vst v3  }
0xa6: {  	[tilespmem:s12+$0xFFFFFFD0] =	vst v4  }
0xa7: {  	v3 =	vld [tilespmem:s8+$0xFFFFFFF0]  }
0xa8: {  	v4 =	vld [tilespmem:s9+$0xFFFFFFF0];
	_ =	sdelay $0x4  }
0xa9: {  	v3 =	vadd.bf16 v4, v3;
	_ =	sdelay $0x1  }
0xaa: {  	v3 =	vmax.bf16 v3, v2  }
0xab: {  	v4 =	vunpack.i.u.bf16.f32 v3;
	v3 =	vunpack.i.l.bf16.f32 v3  }
0xac: {  	[tilespmem:s12+$0xFFFFFFE0] =	vst v3  }
0xad: {  	[tilespmem:s12+$0xFFFFFFF0] =	vst v4  }
0xae: {  	v3 =	vld [tilespmem:s8+$0x0]  }
0xaf: {  	v4 =	vld [tilespmem:s9+$0x0];
	_ =	sdelay $0x4  }
0xb0: {  	v3 =	vadd.bf16 v4, v3;
	_ =	sdelay $0x1  }
0xb1: {  	v3 =	vmax.bf16 v3, v2  }
0xb2: {  	v4 =	vunpack.i.u.bf16.f32 v3;
	v3 =	vunpack.i.l.bf16.f32 v3  }
0xb3: {  	[tilespmem:s12+$0x0] =	vst v3  }
.Ltmp1:
0xb4: {  	[tilespmem:s12+$0x10] =	vst v4;
	(pc) =	sbr.rel @p0 .LBB2_5-.Ltmp1, $3  }
0xb5: {  	v3 =	vld [tilespmem:s8+$0x10]  }
0xb6: {  	v4 =	vld [tilespmem:s9+$0x10];
	_ =	sdelay $0x1  }
0xb7: {  	s12 =	sadd.s32 $0x80, s12  }
0xb8: {  	_ =	sdelay $0x1  }
0xb9: {  	v3 =	vadd.bf16 v4, v3;
	_ =	sdelay $0x1  }
0xba: {  	v3 =	vmax.bf16 v3, v2  }
0xbb: {  	s8 =	sshll.u32 s18, $0x9;
	v4 =	vunpack.i.l.bf16.f32 v3  }
0xbc: {  	s8 =	sand.u32 $0x3FFFFE00, s8;
	v3 =	vunpack.i.u.bf16.f32 v3;
	[tilespmem:s20+$0x20] =	vst v4  }
0xbd: {  	s9 =	sadd.s32 $0x2800, s8;
	[tilespmem:s20+$0x30] =	vst v3  }
0xbe: {  	[spmem:s2] =	stream.indirect.scatter.add.f32 [tilespmem:s23], [sflag:$0x5], $0x40, s9, s24, $0xb8;
	[tilespmem:$0x1EE80] =	vst v63  }
0xbf: {  	s8 =	sadd.s32 $0x2880, s8  }
0xc0: {  	[spmem:s2] =	stream.indirect.scatter.add.f32 [tilespmem:s26], [sflag:$0x5], $0x40, s8, s24, $0xb8;
	[tilespmem:$0x1EE80] =	vst v63  }
0xc1: {  	_ =	swait.ge [sflag:s13], $0x1000  }
0xc2: {  	[sflag:s13] =	ssyncset.done $0x0  }
0xc3: {  	[sflag:s13] =	ssyncadd.s32 $0xFFFFF000  }
0xc4: {  	_ =	swait.ge [sflag:s13], $0x1000  }
0xc5: {  	[sflag:s13] =	ssyncset.done $0x0  }
0xc6: {  	[sflag:s13] =	ssyncadd.s32 $0xFFFFF000  }
0xc7: {  	_ =	swait.ge [sflag:s15], $0x2000  }
0xc8: {  	[sflag:s15] =	ssyncset.done $0x0  }
0xc9: {  	[sflag:s15] =	ssyncadd.s32 $0xFFFFE000  }
0xca: {  	_ =	swait.ge [sflag:s0], $0x2000  }
0xcb: {  	[sflag:s0] =	ssyncset.done $0x0  }
0xcc: {  	s12 =	smin.u32 s10, $0x25;
	[sflag:s0] =	ssyncadd.s32 $0xFFFFE000  }
0xcd: {  	s8 =	sadd.s32 $0x2, s12;
	_ =	swait.ge [sflag:s0], $0x2000  }
0xce: {  	s20 =	sshll.u32 s8, $0x8;
	s8 =	sshll.u32 s8, $0xD;
	[sflag:s0] =	ssyncset.done $0x0  }
0xcf: {  	s8 =	sadd.s32 s14, s8;
	[sflag:s0] =	ssyncadd.s32 $0xFFFFE000  }
0xd0: {  	[tilespmem:s28], [sflag:$0x1] =	stream.indirect.gather [hbm4b:s4+s24], $0x20, s20, s24, $0xb8;
	[tilespmem:$0x1EE80] =	vst v63  }
0xd1: {  	s9 =	sor.u32 $0x80, s20;
	s8 =	sshrl.u32 s8, $0x3  }
0xd2: {  	[tilespmem:s29], [sflag:$0x1] =	stream.indirect.gather [hbm4b:s4+s24], $0x20, s9, s24, $0xb8;
	[tilespmem:$0x1EE80] =	vst v63  }
0xd3: {  	s8 =	sadd.s32 s5, s8  }
0xd4: {  	[tilespmem:s30], [sflag:$0x3] =	stream.linear.gather [hbm4b:s8+s3], $0x2000, $0x38;
	[tilespmem:$0x1EE80] =	vst v63  }
0xd5: {  	s8 =	simm.s32 $0x70A0  }
0xd6: {  	s10 =	simm.s32 $0xB0A0;
	v3 =	vld [tilespmem:s8+$0xFFFFFFE0]  }
0xd7: {  	v4 =	vld [tilespmem:s10+$0xFFFFFFE0];
	_ =	sdelay $0x4  }
0xd8: {  	v3 =	vadd.bf16 v4, v3;
	_ =	sdelay $0x1  }
0xd9: {  	v3 =	vmax.bf16 v3, v2  }
0xda: {  	s9 =	simm.s32 $0x110C0;
	v4 =	vunpack.i.l.bf16.f32 v3  }
0xdb: {  	v3 =	vunpack.i.u.bf16.f32 v3;
	[tilespmem:s9+$0xFFFFFFC0] =	vst v4  }
0xdc: {  	[tilespmem:s9+$0xFFFFFFD0] =	vst v3  }
0xdd: {  	v3 =	vld [tilespmem:s8+$0xFFFFFFF0]  }
0xde: {  	v4 =	vld [tilespmem:s10+$0xFFFFFFF0];
	_ =	sdelay $0x4  }
0xdf: {  	v3 =	vadd.bf16 v4, v3;
	_ =	sdelay $0x1  }
0xe0: {  	v3 =	vmax.bf16 v3, v2  }
0xe1: {  	v4 =	vunpack.i.l.bf16.f32 v3  }
0xe2: {  	v3 =	vunpack.i.u.bf16.f32 v3;
	[tilespmem:s9+$0xFFFFFFE0] =	vst v4  }
0xe3: {  	[tilespmem:s9+$0xFFFFFFF0] =	vst v3  }
0xe4: {  	v3 =	vld [tilespmem:s8+$0x0]  }
0xe5: {  	v4 =	vld [tilespmem:s10+$0x0];
	_ =	sdelay $0x4  }
0xe6: {  	v3 =	vadd.bf16 v4, v3;
	_ =	sdelay $0x1  }
0xe7: {  	v3 =	vmax.bf16 v3, v2  }
0xe8: {  	v4 =	vunpack.i.l.bf16.f32 v3  }
0xe9: {  	v3 =	vunpack.i.u.bf16.f32 v3;
	[tilespmem:s9+$0x0] =	vst v4  }
0xea: {  	[tilespmem:s9+$0x10] =	vst v3  }
0xeb: {  	v3 =	vld [tilespmem:s8+$0x10]  }
0xec: {  	v4 =	vld [tilespmem:s10+$0x10];
	_ =	sdelay $0x1  }
0xed: {  	s11 =	simm.s32 $0x0;
	s12 =	simm.s32 $0x11140  }
.LBB2_7:
0xee: {  	s11 =	sadd.s32 $0x2, s11;
	s10 =	sadd.s32 $0x40, s10;
	s8 =	sadd.s32 $0x40, s8  }
0xef: {  	p0 =	slt.u32 s11, $0xFE  }
0xf0: {  	v3 =	vadd.bf16 v4, v3;
	_ =	sdelay $0x1  }
0xf1: {  	v3 =	vmax.bf16 v3, v2  }
0xf2: {  	v4 =	vunpack.i.u.bf16.f32 v3;
	v3 =	vunpack.i.l.bf16.f32 v3  }
0xf3: {  	[tilespmem:s9+$0x20] =	vst v3  }
0xf4: {  	[tilespmem:s9+$0x30] =	vst v4;
	s9 =	smov.u32 s12  }
0xf5: {  	v3 =	vld [tilespmem:s8+$0xFFFFFFE0]  }
0xf6: {  	v4 =	vld [tilespmem:s10+$0xFFFFFFE0];
	_ =	sdelay $0x4  }
0xf7: {  	v3 =	vadd.bf16 v4, v3;
	_ =	sdelay $0x1  }
0xf8: {  	v3 =	vmax.bf16 v3, v2  }
0xf9: {  	v4 =	vunpack.i.u.bf16.f32 v3;
	v3 =	vunpack.i.l.bf16.f32 v3  }
0xfa: {  	[tilespmem:s12+$0xFFFFFFC0] =	vst v3  }
0xfb: {  	[tilespmem:s12+$0xFFFFFFD0] =	vst v4  }
0xfc: {  	v3 =	vld [tilespmem:s8+$0xFFFFFFF0]  }
0xfd: {  	v4 =	vld [tilespmem:s10+$0xFFFFFFF0];
	_ =	sdelay $0x4  }
0xfe: {  	v3 =	vadd.bf16 v4, v3;
	_ =	sdelay $0x1  }
0xff: {  	v3 =	vmax.bf16 v3, v2  }
0x100: {  	v4 =	vunpack.i.u.bf16.f32 v3;
	v3 =	vunpack.i.l.bf16.f32 v3  }
0x101: {  	[tilespmem:s12+$0xFFFFFFE0] =	vst v3  }
0x102: {  	[tilespmem:s12+$0xFFFFFFF0] =	vst v4  }
0x103: {  	v3 =	vld [tilespmem:s8+$0x0]  }
0x104: {  	v4 =	vld [tilespmem:s10+$0x0];
	_ =	sdelay $0x4  }
0x105: {  	v3 =	vadd.bf16 v4, v3;
	_ =	sdelay $0x1  }
0x106: {  	v3 =	vmax.bf16 v3, v2  }
0x107: {  	v4 =	vunpack.i.u.bf16.f32 v3;
	v3 =	vunpack.i.l.bf16.f32 v3  }
0x108: {  	[tilespmem:s12+$0x0] =	vst v3  }
.Ltmp2:
0x109: {  	[tilespmem:s12+$0x10] =	vst v4;
	(pc) =	sbr.rel @p0 .LBB2_7-.Ltmp2, $3  }
0x10a: {  	v3 =	vld [tilespmem:s8+$0x10]  }
0x10b: {  	v4 =	vld [tilespmem:s10+$0x10];
	_ =	sdelay $0x1  }
0x10c: {  	s12 =	sadd.s32 $0x80, s12  }
0x10d: {  	_ =	sdelay $0x1  }
0x10e: {  	v3 =	vadd.bf16 v4, v3;
	_ =	sdelay $0x1  }
0x10f: {  	s18 =	sadd.s32 $0x1, s18;
	v3 =	vmax.bf16 v3, v2  }
0x110: {  	p0 =	sne.s32 s18, $0x14;
	v63 =	vunpack.i.l.bf16.f32 v3  }
.Ltmp3:
0x111: {  	v3 =	vunpack.i.u.bf16.f32 v3;
	[tilespmem:s9+$0x20] =	vst v63;
	(pc) =	sbr.rel @p0 .LBB2_4-.Ltmp3, $4  }
0x112: {  	s8 =	sadd.s32 $0x2800, s19;
	[tilespmem:s9+$0x30] =	vst v3  }
0x113: {  	[spmem:s2] =	stream.indirect.scatter.add.f32 [tilespmem:s16], [sflag:$0x5], $0x40, s8, s24, $0xb8;
	[tilespmem:$0x1EE80] =	vst v63  }
0x114: {  	s20 =	sadd.s32 $0x2880, s19  }
0x115: {  	[spmem:s2] =	stream.indirect.scatter.add.f32 [tilespmem:s25], [sflag:$0x5], $0x40, s20, s24, $0xb8;
	[tilespmem:$0x1EE80] =	vst v63  }
0x116: {  	_ =	swait.ge [sflag:s31], $0x1000  }
0x117: {  	[sflag:s31] =	ssyncset.done $0x0  }
0x118: {  	[sflag:s31] =	ssyncadd.s32 $0xFFFFF000  }
0x119: {  	_ =	swait.ge [sflag:s31], $0x1000  }
0x11a: {  	[sflag:s31] =	ssyncset.done $0x0  }
0x11b: {  	[sflag:s31] =	ssyncadd.s32 $0xFFFFF000  }
0x11c: {  	_ =	swait.ge [sflag:s1], $0x2000  }
0x11d: {  	[sflag:s1] =	ssyncset.done $0x0  }
0x11e: {  	[sflag:s1] =	ssyncadd.s32 $0xFFFFE000  }
0x11f: {  	_ =	swait.ge [sflag:s0], $0x2000  }
0x120: {  	[sflag:s0] =	ssyncset.done $0x0  }
0x121: {  	[sflag:s0] =	ssyncadd.s32 $0xFFFFE000  }
0x122: {  	_ =	swait.ge [sflag:s0], $0x2000  }
0x123: {  	[sflag:s0] =	ssyncset.done $0x0  }
0x124: {  	[sflag:s0] =	ssyncadd.s32 $0xFFFFE000  }
0x125: {  	[bflag:$0x0] =	sbarrier.arrive $0xFFFF  }
0x126: {  	s18 =	rddreg [dreg:$0x5]  }
0x127: {  	[tilespmem:s23], [sflag:$0x6] =	stream.linear.gather [spmem:s18], $0x2000, $0x38;
	[tilespmem:$0x1EE80] =	vst v63  }
0x128: {  	_ =	swait.ge [sflag:s21], $0x2000  }
0x129: {  	[sflag:s21] =	ssyncset.done $0x0  }
0x12a: {  	s8 =	rddreg [dreg:$0xb];
	[sflag:s21] =	ssyncadd.s32 $0xFFFFE000  }
0x12b: {  	[hbm4b:s8+s3] =	stream.linear.scatter [tilespmem:s23], [sflag:$0x6], $0x2000, $0x38;
	[tilespmem:$0x1EE80] =	vst v63  }
0x12c: {  	_ =	swait.ge [sflag:s21], $0x2000  }
0x12d: {  	[sflag:s21] =	ssyncset.done $0x0  }
0x12e: {  	s19 =	rddreg [dreg:$0x6];
	[sflag:s21] =	ssyncadd.s32 $0xFFFFE000  }
0x12f: {  	[tilespmem:s23], [sflag:$0x6] =	stream.linear.gather [spmem:s19], $0x2000, $0x38;
	[tilespmem:$0x1EE80] =	vst v63  }
0x130: {  	_ =	swait.ge [sflag:s21], $0x2000  }
0x131: {  	[sflag:s21] =	ssyncset.done $0x0  }
0x132: {  	s10 =	rddreg [dreg:$0xc];
	[sflag:s21] =	ssyncadd.s32 $0xFFFFE000  }
0x133: {  	[hbm4b:s10+s3] =	stream.linear.scatter [tilespmem:s23], [sflag:$0x6], $0x2000, $0x38;
	[tilespmem:$0x1EE80] =	vst v63  }
0x134: {  	_ =	swait.ge [sflag:s21], $0x2000  }
0x135: {  	[sflag:s21] =	ssyncset.done $0x0  }
0x136: {  	s20 =	rddreg [dreg:$0x7];
	[sflag:s21] =	ssyncadd.s32 $0xFFFFE000  }
0x137: {  	[tilespmem:s23], [sflag:$0x6] =	stream.linear.gather [spmem:s20], $0x2000, $0x38;
	[tilespmem:$0x1EE80] =	vst v63  }
0x138: {  	_ =	swait.ge [sflag:s21], $0x2000  }
0x139: {  	[sflag:s21] =	ssyncset.done $0x0  }
0x13a: {  	s11 =	rddreg [dreg:$0xd];
	[sflag:s21] =	ssyncadd.s32 $0xFFFFE000  }
0x13b: {  	[hbm4b:s11+s3] =	stream.linear.scatter [tilespmem:s23], [sflag:$0x6], $0x2000, $0x38;
	[tilespmem:$0x1EE80] =	vst v63  }
0x13c: {  	_ =	swait.ge [sflag:s21], $0x2000  }
0x13d: {  	[sflag:s21] =	ssyncset.done $0x0  }
0x13e: {  	s12 =	rddreg [dreg:$0x8];
	[sflag:s21] =	ssyncadd.s32 $0xFFFFE000  }
0x13f: {  	[tilespmem:s23], [sflag:$0x6] =	stream.linear.gather [spmem:s12], $0x2000, $0x38;
	[tilespmem:$0x1EE80] =	vst v63  }
0x140: {  	_ =	swait.ge [sflag:s21], $0x2000  }
0x141: {  	[sflag:s21] =	ssyncset.done $0x0  }
0x142: {  	s9 =	rddreg [dreg:$0xe];
	[sflag:s21] =	ssyncadd.s32 $0xFFFFE000  }
0x143: {  	[hbm4b:s9+s3] =	stream.linear.scatter [tilespmem:s23], [sflag:$0x6], $0x2000, $0x38;
	[tilespmem:$0x1EE80] =	vst v63  }
0x144: {  	_ =	swait.ge [sflag:s21], $0x2000  }
0x145: {  	[sflag:s21] =	ssyncset.done $0x0  }
0x146: {  	s10 =	rddreg [dreg:$0x9];
	[sflag:s21] =	ssyncadd.s32 $0xFFFFE000  }
0x147: {  	[tilespmem:s23], [sflag:$0x6] =	stream.linear.gather [spmem:s10], $0x1E00, $0x38;
	[tilespmem:$0x1EE80] =	vst v63  }
0x148: {  	_ =	swait.ge [sflag:s21], $0x1E00  }
0x149: {  	[sflag:s21] =	ssyncset.done $0x0  }
0x14a: {  	s11 =	rddreg [dreg:$0xf];
	[sflag:s21] =	ssyncadd.s32 $0xFFFFE200  }
0x14b: {  	[hbm4b:s11+s3] =	stream.linear.scatter [tilespmem:s23], [sflag:$0x6], $0x1E00, $0x38;
	[tilespmem:$0x1EE80] =	vst v63  }
0x14c: {  	_ =	swait.ge [sflag:s21], $0x1E00  }
0x14d: {  	s17 =	sadd.s32 $0x1, s17;
	s12 =	rddreg [dreg:$0x10]  }
0x14e: {  	p0 =	sne.s32 s17, s12  }
.Ltmp4:
0x14f: {  	_ = 	snop;
	(pc) =	sbr.rel @p0 .LBB2_1-.Ltmp4, $3  }
0x150: {  	_ =	sdelay $0x1  }
0x151: {  	[sflag:s21] =	ssyncset.done $0x0  }
0x152: {  	[sflag:s21] =	ssyncadd.s32 $0xFFFFE200  }
0x153: {  	_ =	sfence.sel $0x180000  }
0x154: {  	[bflag:$0x0] =	sbarrier.arrive $0xFFFF  }
0x155: {  	_ =	strace $0x90000047  }
0x156: {  	s0 =	stileid.u32;
	[bflag:$0x2] =	sbarrier.arrive $0xFFFF  }
0x157: {  	p0 =	sne.s32 s0, $0x0;
	s0 =	rddreg [dreg:$0x2]  }
0x158: {  	s0 =	sadd.s32 @!p0 $0x100000, s0  }
0x159: {  	[sflag:s0] =	ssyncadd.tile.s32 @!p0 $0x1;
	_ =	shalt  }
.Lfunc_end2:
_tile_overlayer_lowered:
.L_overlay_start_2:
0x15a: {  	(tag) =	ssettag $0x2  }
0x15b: {  	s0 =	rddreg [dreg:$0x0];
	s2 =	stileid.u32  }
0x15c: {  	s1 =	rddreg [dreg:$0x1];
	p0 =	sne.s32 s2, $0x0  }
0x15d: {  	s3 =	rddreg [dreg:$0x2];
	[bflag:$0x3] =	sbarrier.arrive $0xFFFF;
	s2 =	simm.s32 @!p0 $0x1C06  }
0x15e: {  	[timem:s3], [sflag:s2] =	dma.local @!p0 [hbm:s0], s1  }
0x15f: {  	s0 =	simm.s32 @!p0 $0x6  }
0x160: {  	_ =	swait.ge @!p0 [sflag:s0], s1  }
0x161: {  	s1 =	ssub.s32 @!p0 $0x0, s1;
	[sflag:s0] =	ssyncset.done @!p0 $0x0  }
0x162: {  	[sflag:s0] =	ssyncadd.s32 @!p0 s1  }
0x163: {  	[bflag:$0x3] =	sbarrier.arrive $0xFFFF  }
0x164: {  	_ =	shalt  }

</sc_bundles>
